<compile_context>
chip_gen: v7x
topology: tpu7x:2x2x1
jax: 0.10.2.dev20260603
libtpu: 0.0.44.dev20260713+nightly
codegen_flags: <defaults>
</compile_context>

<pallas_src>
import jax
import jax.numpy as jnp
from jax import lax
from jax.experimental import pallas as pl
from jax.experimental.pallas import tpu as pltpu
from jax.experimental.pallas import tpu_sc as plsc

T = 26
VOCAB = 100000
D = 32
B = 1024
L = 20
PW = 128

NC, NS = 2, 16
NW = NC * NS
NBAGS = T * B
BPW = NBAGS // NW
CB = 32
NCHUNK = BPW // CB
IPC = CB * L
GCHUNK = 128
NG = IPC // GCHUNK
INV_L = 1.0 / L


def _sc_body(table, idx_hbm, out_hbm, idx_v, rows_v, out_v, sem):
    i32 = jnp.int32
    wid = lax.axis_index("s") * i32(NC) + lax.axis_index("c")
    bag0 = wid * i32(BPW)

    def chunk_body(c, carry):
        base_bag = bag0 + c * i32(CB)
        base_idx = base_bag * i32(L)
        pltpu.sync_copy(idx_hbm.at[pl.ds(base_idx, IPC)], idx_v)
        descs = []
        for j in range(NG):
            descs.append(pltpu.async_copy(
                table.at[idx_v.at[pl.ds(j * GCHUNK, GCHUNK)]],
                rows_v.at[pl.ds(j * GCHUNK, GCHUNK)],
                sem))
        for d in descs:
            d.wait()

        def bag_body(b, carry2):
            r0 = b * i32(L)
            acc0 = rows_v[r0, pl.ds(0, 16)]
            acc1 = rows_v[r0, pl.ds(16, 16)]
            for l in range(1, L):
                acc0 = acc0 + rows_v[r0 + i32(l), pl.ds(0, 16)]
                acc1 = acc1 + rows_v[r0 + i32(l), pl.ds(16, 16)]
            out_v[b, pl.ds(0, 16)] = acc0 * INV_L
            out_v[b, pl.ds(16, 16)] = acc1 * INV_L
            return carry2

        lax.fori_loop(i32(0), i32(CB), bag_body, i32(0))
        pltpu.sync_copy(out_v, out_hbm.at[pl.ds(base_bag, CB)])
        return carry

    lax.fori_loop(i32(0), i32(NCHUNK), chunk_body, i32(0))


def kernel(weight, indices, offsets):
    del offsets
    wpad = jnp.pad(weight.reshape(T * VOCAB, D), ((0, 0), (0, PW - D)))
    idx = indices.astype(jnp.int32)
    mesh = plsc.VectorSubcoreMesh(core_axis_name="c", subcore_axis_name="s")
    run = pl.kernel(
        _sc_body,
        out_type=jax.ShapeDtypeStruct((NBAGS, D), jnp.float32),
        mesh=mesh,
        scratch_types=[
            pltpu.VMEM((IPC,), jnp.int32),
            pltpu.VMEM((IPC, PW), jnp.float32),
            pltpu.VMEM((CB, D), jnp.float32),
            pltpu.SemaphoreType.DMA,
        ],
        compiler_params=pltpu.CompilerParams(
            use_tc_tiling_on_sc=True, needs_layout_passes=False),
    )
    out_flat = run(wpad, idx)
    return out_flat.reshape(T, B, D).transpose(1, 0, 2).reshape(B, T * D)

# --- scband reference (transcript-rebuilt; emitter-appended) ---
"""Pipeline reference for scband-parallel-freq-aware-embedding-bag-tablewise-spilt-cache-3642132267209 (READ-ONLY COPY).

The authoritative reference and input builder live on the scoring server;
editing this copy changes nothing except your own understanding.
"""

import jax, jax.numpy as jnp
import numpy as np

jax.config.update("jax_enable_x64", True)

T = 26          # number of tables (n_sparse_fields)
VOCAB = 100000  # rows per table
D = 32          # embedding_dim
B = 1024        # batch size
L = 20          # bag length (uniform)


def setup_inputs(seed: int = 0):
    key = jax.random.key(seed)
    k1, k2 = jax.random.split(key)
    # per-table local indices in [0, VOCAB), then shifted to global id space
    local_idx = jax.random.randint(k1, (T, B * L), 0, VOCAB, dtype=jnp.int64)
    table_base = (jnp.arange(T, dtype=jnp.int64) * VOCAB)[:, None]
    indices = (local_idx + table_base).reshape(-1)  # tablewise-concatenated global indices
    offsets = jnp.arange(T * B, dtype=jnp.int64) * L  # bag start offsets (include_last_offset=False)
    weight = jax.random.normal(k2, (T, VOCAB, D), dtype=jnp.float32) * 0.02  # per-table embedding weights
    return {"weight": weight, "indices": indices, "offsets": offsets}


def _embedding_bag_mean(table, local_indices, local_offsets, batch_size):
    # faithful nn.EmbeddingBag(mode='mean'): gather rows, segment-mean per bag
    gathered = jnp.take(table, local_indices, axis=0)
    n = local_indices.shape[0]
    seg_ids = jnp.searchsorted(local_offsets, jnp.arange(n, dtype=local_offsets.dtype), side="right") - 1
    sums = jax.ops.segment_sum(gathered, seg_ids, num_segments=batch_size)
    counts = jax.ops.segment_sum(jnp.ones((n,), dtype=gathered.dtype), seg_ids, num_segments=batch_size)
    return sums / jnp.maximum(counts, 1.0)[:, None]


def _forward(weight, indices, offsets):
    # global_tables_offsets = cumsum([0] + num_embeddings_list)
    global_tables_offsets = jnp.arange(T + 1, dtype=indices.dtype) * VOCAB
    batch_size = offsets.shape[0] // T
    bag_len = indices.shape[0] // offsets.shape[0]
    outs = []
    for t in range(T):  # world_size==1: all tables assigned to this rank
        start = batch_size * t * bag_len
        if batch_size * (t + 1) >= offsets.shape[0]:
            end = indices.shape[0]  # last table: offsets exhausted, take remaining indices
        else:
            end = batch_size * (t + 1) * bag_len
        local_indices = indices[start:end] - global_tables_offsets[t]
        local_offsets = offsets[batch_size * t: batch_size * (t + 1)] - offsets[batch_size * t]
        outs.append(_embedding_bag_mean(weight[t], local_indices, local_offsets, batch_size))
    local_output = jnp.concatenate(outs, axis=1)  # [B, T*D]
    # dual_all_to_all_tablewise with world_size==1 is the identity
    return local_output


def reference(weight, indices, offsets):
    return _forward(weight, indices, offsets)


if False:  # reference __main__ guard neutralized (emitter)
    out = reference(**setup_inputs())
    print(out.shape, out.dtype)

if __name__ == "__main__":
    import jax
    _d = setup_inputs()
    print(jax.jit(kernel)(*tuple(_d.values())))

</pallas_src>

<mosaic_0001>
#map = affine_map<(d0, d1) -> (0, 0)>
#map1 = affine_map<(d0, d1) -> (0)>
module attributes {stable_mosaic.version = 14 : i64} {
  func.func @_sc_body(%arg0: i32, %arg1: i32, %arg2: memref<2600000x128xf32, #tpu.memory_space<hbm>>, %arg3: memref<532480xi32, #tpu.memory_space<hbm>>, %arg4: memref<26624x32xf32, #tpu.memory_space<hbm>>, %arg5: memref<640xi32, #tpu.memory_space<vmem>>, %arg6: memref<640x128xf32, #tpu.memory_space<vmem>>, %arg7: memref<32x32xf32, #tpu.memory_space<vmem>>, %arg8: memref<!tpu.dma_semaphore, #tpu.memory_space<semaphore_mem>>) attributes {dimension_semantics = [#tpu.dimension_semantics<core_parallel>, #tpu.dimension_semantics<subcore_parallel>], iteration_bounds = array<i64: 2, 16>, scalar_prefetch = 0 : i64, scratch_operands = 4 : i64, tpu.core_type = #tpu.core_type<sc_vector_subcore>, window_params = [{transform_indices = #map}, {transform_indices = #map1}, {transform_indices = #map}]} {
    %mul3A = arith.constant 2 : i32
    %mul3A_0 = arith.muli %arg1, %mul3A : i32
    %add3A = arith.addi %mul3A_0, %arg0 : i32
    %mul3A_1 = arith.constant 832 : i32
    %mul3A_2 = arith.muli %add3A, %mul3A_1 : i32
    %while3A = arith.constant 0 : i32
    %while3A_3 = arith.constant 0 : i32
    %while3A_4 = arith.constant 26 : i32
    %while3A_5 = arith.subi %while3A_4, %while3A_3 : i32
    %while3A_6 = arith.addi %while3A_3, %while3A_5 : i32
    %while3A_7 = arith.constant 1 : i32
    %while3A_8 = arith.divsi %while3A_5, %while3A_7 : i32
    %while3A_9 = arith.muli %while3A_8, %while3A_7 : i32
    %while3A_10 = arith.addi %while3A_3, %while3A_9 : i32
    %while3A_11 = arith.constant 1 : i32
    scf.for %while3A_13 = %while3A_3 to %while3A_10 step %while3A_11  : i32 {
      %mul3A_14 = arith.constant 32 : i32
      %mul3A_15 = arith.muli %while3A_13, %mul3A_14 : i32
      %add3A_16 = arith.addi %mul3A_2, %mul3A_15 : i32
      %mul3A_17 = arith.constant 20 : i32
      %mul3A_18 = arith.muli %add3A_16, %mul3A_17 : i32
      "tpu.region"() ({
        %run_scoped3A = tpu.sem_alloc : memref<!tpu.dma_semaphore, #tpu.memory_space<semaphore_mem>>
        %dma_start3A_108 = tpu.memref_slice %arg3[%mul3A_18] : memref<532480xi32, #tpu.memory_space<hbm>> -> memref<640xi32, #tpu.memory_space<hbm>>
        %dma_start3A_109 = tpu.memref_slice %arg3[%mul3A_18] : memref<532480xi32, #tpu.memory_space<hbm>> -> memref<640xi32, #tpu.memory_space<hbm>>
        tpu.enqueue_dma source(%dma_start3A_109 : memref<640xi32, #tpu.memory_space<hbm>>) target(%arg5 : memref<640xi32, #tpu.memory_space<vmem>>) target_semaphore(%run_scoped3A : memref<!tpu.dma_semaphore, #tpu.memory_space<semaphore_mem>>)
        %dma_wait3A_110 = tpu.memref_slice %arg3[%mul3A_18] : memref<532480xi32, #tpu.memory_space<hbm>> -> memref<640xi32, #tpu.memory_space<hbm>>
        %dma_wait3A_111 = tpu.memref_slice %arg3[%mul3A_18] : memref<532480xi32, #tpu.memory_space<hbm>> -> memref<640xi32, #tpu.memory_space<hbm>>
        tpu.wait_dma2 semaphore(%run_scoped3A : memref<!tpu.dma_semaphore, #tpu.memory_space<semaphore_mem>>) src(%dma_wait3A_111 : memref<640xi32, #tpu.memory_space<hbm>>) dst(%arg5 : memref<640xi32, #tpu.memory_space<vmem>>)
        tpu.yield
      }) : () -> ()
      %dma_start3A = arith.constant 0 : i32
      %dma_start3A_19 = arith.constant 0 : i32
      %dma_start3A_20 = tpu.memref_slice %arg6[%dma_start3A, %dma_start3A_19] : memref<640x128xf32, #tpu.memory_space<vmem>> -> memref<128x128xf32, #tpu.memory_space<vmem>>
      %dma_start3A_21 = arith.constant 0 : i32
      %dma_start3A_22 = tpu.memref_slice %arg5[%dma_start3A_21] : memref<640xi32, #tpu.memory_space<vmem>> -> memref<128xi32, #tpu.memory_space<vmem>>
      %dma_start3A_23 = arith.constant 0 : i32
      %dma_start3A_24 = arith.constant 0 : i32
      %dma_start3A_25 = tpu.memref_slice %arg2[%dma_start3A_23, %dma_start3A_24] : memref<2600000x128xf32, #tpu.memory_space<hbm>> -> memref<2600000x128xf32, #tpu.memory_space<hbm>>
      tpu.enqueue_indirect_dma source(%dma_start3A_25 : memref<2600000x128xf32, #tpu.memory_space<hbm>>) target(%dma_start3A_20 : memref<128x128xf32, #tpu.memory_space<vmem>>) offsets(%dma_start3A_22 : memref<128xi32, #tpu.memory_space<vmem>>) semaphore(%arg8 : memref<!tpu.dma_semaphore, #tpu.memory_space<semaphore_mem>>)
      %dma_start3A_26 = arith.constant 128 : i32
      %dma_start3A_27 = arith.constant 0 : i32
      %dma_start3A_28 = tpu.memref_slice %arg6[%dma_start3A_26, %dma_start3A_27] : memref<640x128xf32, #tpu.memory_space<vmem>> -> memref<128x128xf32, #tpu.memory_space<vmem>>
      %dma_start3A_29 = arith.constant 128 : i32
      %dma_start3A_30 = tpu.memref_slice %arg5[%dma_start3A_29] : memref<640xi32, #tpu.memory_space<vmem>> -> memref<128xi32, #tpu.memory_space<vmem>>
      %dma_start3A_31 = arith.constant 0 : i32
      %dma_start3A_32 = arith.constant 0 : i32
      %dma_start3A_33 = tpu.memref_slice %arg2[%dma_start3A_31, %dma_start3A_32] : memref<2600000x128xf32, #tpu.memory_space<hbm>> -> memref<2600000x128xf32, #tpu.memory_space<hbm>>
      tpu.enqueue_indirect_dma source(%dma_start3A_33 : memref<2600000x128xf32, #tpu.memory_space<hbm>>) target(%dma_start3A_28 : memref<128x128xf32, #tpu.memory_space<vmem>>) offsets(%dma_start3A_30 : memref<128xi32, #tpu.memory_space<vmem>>) semaphore(%arg8 : memref<!tpu.dma_semaphore, #tpu.memory_space<semaphore_mem>>)
      %dma_start3A_34 = arith.constant 256 : i32
      %dma_start3A_35 = arith.constant 0 : i32
      %dma_start3A_36 = tpu.memref_slice %arg6[%dma_start3A_34, %dma_start3A_35] : memref<640x128xf32, #tpu.memory_space<vmem>> -> memref<128x128xf32, #tpu.memory_space<vmem>>
      %dma_start3A_37 = arith.constant 256 : i32
      %dma_start3A_38 = tpu.memref_slice %arg5[%dma_start3A_37] : memref<640xi32, #tpu.memory_space<vmem>> -> memref<128xi32, #tpu.memory_space<vmem>>
      %dma_start3A_39 = arith.constant 0 : i32
      %dma_start3A_40 = arith.constant 0 : i32
      %dma_start3A_41 = tpu.memref_slice %arg2[%dma_start3A_39, %dma_start3A_40] : memref<2600000x128xf32, #tpu.memory_space<hbm>> -> memref<2600000x128xf32, #tpu.memory_space<hbm>>
      tpu.enqueue_indirect_dma source(%dma_start3A_41 : memref<2600000x128xf32, #tpu.memory_space<hbm>>) target(%dma_start3A_36 : memref<128x128xf32, #tpu.memory_space<vmem>>) offsets(%dma_start3A_38 : memref<128xi32, #tpu.memory_space<vmem>>) semaphore(%arg8 : memref<!tpu.dma_semaphore, #tpu.memory_space<semaphore_mem>>)
      %dma_start3A_42 = arith.constant 384 : i32
      %dma_start3A_43 = arith.constant 0 : i32
      %dma_start3A_44 = tpu.memref_slice %arg6[%dma_start3A_42, %dma_start3A_43] : memref<640x128xf32, #tpu.memory_space<vmem>> -> memref<128x128xf32, #tpu.memory_space<vmem>>
      %dma_start3A_45 = arith.constant 384 : i32
      %dma_start3A_46 = tpu.memref_slice %arg5[%dma_start3A_45] : memref<640xi32, #tpu.memory_space<vmem>> -> memref<128xi32, #tpu.memory_space<vmem>>
      %dma_start3A_47 = arith.constant 0 : i32
      %dma_start3A_48 = arith.constant 0 : i32
      %dma_start3A_49 = tpu.memref_slice %arg2[%dma_start3A_47, %dma_start3A_48] : memref<2600000x128xf32, #tpu.memory_space<hbm>> -> memref<2600000x128xf32, #tpu.memory_space<hbm>>
      tpu.enqueue_indirect_dma source(%dma_start3A_49 : memref<2600000x128xf32, #tpu.memory_space<hbm>>) target(%dma_start3A_44 : memref<128x128xf32, #tpu.memory_space<vmem>>) offsets(%dma_start3A_46 : memref<128xi32, #tpu.memory_space<vmem>>) semaphore(%arg8 : memref<!tpu.dma_semaphore, #tpu.memory_space<semaphore_mem>>)
      %dma_start3A_50 = arith.constant 512 : i32
      %dma_start3A_51 = arith.constant 0 : i32
      %dma_start3A_52 = tpu.memref_slice %arg6[%dma_start3A_50, %dma_start3A_51] : memref<640x128xf32, #tpu.memory_space<vmem>> -> memref<128x128xf32, #tpu.memory_space<vmem>>
      %dma_start3A_53 = arith.constant 512 : i32
      %dma_start3A_54 = tpu.memref_slice %arg5[%dma_start3A_53] : memref<640xi32, #tpu.memory_space<vmem>> -> memref<128xi32, #tpu.memory_space<vmem>>
      %dma_start3A_55 = arith.constant 0 : i32
      %dma_start3A_56 = arith.constant 0 : i32
      %dma_start3A_57 = tpu.memref_slice %arg2[%dma_start3A_55, %dma_start3A_56] : memref<2600000x128xf32, #tpu.memory_space<hbm>> -> memref<2600000x128xf32, #tpu.memory_space<hbm>>
      tpu.enqueue_indirect_dma source(%dma_start3A_57 : memref<2600000x128xf32, #tpu.memory_space<hbm>>) target(%dma_start3A_52 : memref<128x128xf32, #tpu.memory_space<vmem>>) offsets(%dma_start3A_54 : memref<128xi32, #tpu.memory_space<vmem>>) semaphore(%arg8 : memref<!tpu.dma_semaphore, #tpu.memory_space<semaphore_mem>>)
      %dma_wait3A = arith.constant 0 : i32
      %dma_wait3A_58 = arith.constant 0 : i32
      %dma_wait3A_59 = tpu.memref_slice %arg6[%dma_wait3A, %dma_wait3A_58] : memref<640x128xf32, #tpu.memory_space<vmem>> -> memref<128x128xf32, #tpu.memory_space<vmem>>
      %dma_wait3A_60 = arith.constant 0 : i32
      %dma_wait3A_61 = tpu.memref_slice %arg5[%dma_wait3A_60] : memref<640xi32, #tpu.memory_space<vmem>> -> memref<128xi32, #tpu.memory_space<vmem>>
      %dma_wait3A_62 = arith.constant 0 : i32
      %dma_wait3A_63 = arith.constant 0 : i32
      %dma_wait3A_64 = tpu.memref_slice %arg2[%dma_wait3A_62, %dma_wait3A_63] : memref<2600000x128xf32, #tpu.memory_space<hbm>> -> memref<2600000x128xf32, #tpu.memory_space<hbm>>
      tpu.wait_indirect_dma semaphore(%arg8 : memref<!tpu.dma_semaphore, #tpu.memory_space<semaphore_mem>>) src(%dma_wait3A_64 : memref<2600000x128xf32, #tpu.memory_space<hbm>>) dst(%dma_wait3A_59 : memref<128x128xf32, #tpu.memory_space<vmem>>)
      %dma_wait3A_65 = arith.constant 128 : i32
      %dma_wait3A_66 = arith.constant 0 : i32
      %dma_wait3A_67 = tpu.memref_slice %arg6[%dma_wait3A_65, %dma_wait3A_66] : memref<640x128xf32, #tpu.memory_space<vmem>> -> memref<128x128xf32, #tpu.memory_space<vmem>>
      %dma_wait3A_68 = arith.constant 128 : i32
      %dma_wait3A_69 = tpu.memref_slice %arg5[%dma_wait3A_68] : memref<640xi32, #tpu.memory_space<vmem>> -> memref<128xi32, #tpu.memory_space<vmem>>
      %dma_wait3A_70 = arith.constant 0 : i32
      %dma_wait3A_71 = arith.constant 0 : i32
      %dma_wait3A_72 = tpu.memref_slice %arg2[%dma_wait3A_70, %dma_wait3A_71] : memref<2600000x128xf32, #tpu.memory_space<hbm>> -> memref<2600000x128xf32, #tpu.memory_space<hbm>>
      tpu.wait_indirect_dma semaphore(%arg8 : memref<!tpu.dma_semaphore, #tpu.memory_space<semaphore_mem>>) src(%dma_wait3A_72 : memref<2600000x128xf32, #tpu.memory_space<hbm>>) dst(%dma_wait3A_67 : memref<128x128xf32, #tpu.memory_space<vmem>>)
      %dma_wait3A_73 = arith.constant 256 : i32
      %dma_wait3A_74 = arith.constant 0 : i32
      %dma_wait3A_75 = tpu.memref_slice %arg6[%dma_wait3A_73, %dma_wait3A_74] : memref<640x128xf32, #tpu.memory_space<vmem>> -> memref<128x128xf32, #tpu.memory_space<vmem>>
      %dma_wait3A_76 = arith.constant 256 : i32
      %dma_wait3A_77 = tpu.memref_slice %arg5[%dma_wait3A_76] : memref<640xi32, #tpu.memory_space<vmem>> -> memref<128xi32, #tpu.memory_space<vmem>>
      %dma_wait3A_78 = arith.constant 0 : i32
      %dma_wait3A_79 = arith.constant 0 : i32
      %dma_wait3A_80 = tpu.memref_slice %arg2[%dma_wait3A_78, %dma_wait3A_79] : memref<2600000x128xf32, #tpu.memory_space<hbm>> -> memref<2600000x128xf32, #tpu.memory_space<hbm>>
      tpu.wait_indirect_dma semaphore(%arg8 : memref<!tpu.dma_semaphore, #tpu.memory_space<semaphore_mem>>) src(%dma_wait3A_80 : memref<2600000x128xf32, #tpu.memory_space<hbm>>) dst(%dma_wait3A_75 : memref<128x128xf32, #tpu.memory_space<vmem>>)
      %dma_wait3A_81 = arith.constant 384 : i32
      %dma_wait3A_82 = arith.constant 0 : i32
      %dma_wait3A_83 = tpu.memref_slice %arg6[%dma_wait3A_81, %dma_wait3A_82] : memref<640x128xf32, #tpu.memory_space<vmem>> -> memref<128x128xf32, #tpu.memory_space<vmem>>
      %dma_wait3A_84 = arith.constant 384 : i32
      %dma_wait3A_85 = tpu.memref_slice %arg5[%dma_wait3A_84] : memref<640xi32, #tpu.memory_space<vmem>> -> memref<128xi32, #tpu.memory_space<vmem>>
      %dma_wait3A_86 = arith.constant 0 : i32
      %dma_wait3A_87 = arith.constant 0 : i32
      %dma_wait3A_88 = tpu.memref_slice %arg2[%dma_wait3A_86, %dma_wait3A_87] : memref<2600000x128xf32, #tpu.memory_space<hbm>> -> memref<2600000x128xf32, #tpu.memory_space<hbm>>
      tpu.wait_indirect_dma semaphore(%arg8 : memref<!tpu.dma_semaphore, #tpu.memory_space<semaphore_mem>>) src(%dma_wait3A_88 : memref<2600000x128xf32, #tpu.memory_space<hbm>>) dst(%dma_wait3A_83 : memref<128x128xf32, #tpu.memory_space<vmem>>)
      %dma_wait3A_89 = arith.constant 512 : i32
      %dma_wait3A_90 = arith.constant 0 : i32
      %dma_wait3A_91 = tpu.memref_slice %arg6[%dma_wait3A_89, %dma_wait3A_90] : memref<640x128xf32, #tpu.memory_space<vmem>> -> memref<128x128xf32, #tpu.memory_space<vmem>>
      %dma_wait3A_92 = arith.constant 512 : i32
      %dma_wait3A_93 = tpu.memref_slice %arg5[%dma_wait3A_92] : memref<640xi32, #tpu.memory_space<vmem>> -> memref<128xi32, #tpu.memory_space<vmem>>
      %dma_wait3A_94 = arith.constant 0 : i32
      %dma_wait3A_95 = arith.constant 0 : i32
      %dma_wait3A_96 = tpu.memref_slice %arg2[%dma_wait3A_94, %dma_wait3A_95] : memref<2600000x128xf32, #tpu.memory_space<hbm>> -> memref<2600000x128xf32, #tpu.memory_space<hbm>>
      tpu.wait_indirect_dma semaphore(%arg8 : memref<!tpu.dma_semaphore, #tpu.memory_space<semaphore_mem>>) src(%dma_wait3A_96 : memref<2600000x128xf32, #tpu.memory_space<hbm>>) dst(%dma_wait3A_91 : memref<128x128xf32, #tpu.memory_space<vmem>>)
      %while3A_97 = arith.constant 0 : i32
      %while3A_98 = arith.constant 0 : i32
      %while3A_99 = arith.constant 32 : i32
      %while3A_100 = arith.subi %while3A_99, %while3A_98 : i32
      %while3A_101 = arith.addi %while3A_98, %while3A_100 : i32
      %while3A_102 = arith.constant 1 : i32
      %while3A_103 = arith.divsi %while3A_100, %while3A_102 : i32
      %while3A_104 = arith.muli %while3A_103, %while3A_102 : i32
      %while3A_105 = arith.addi %while3A_98, %while3A_104 : i32
      %while3A_106 = arith.constant 1 : i32
      scf.for %while3A_108 = %while3A_98 to %while3A_105 step %while3A_106  : i32 {
        %mul3A_109 = arith.constant 20 : i32
        %mul3A_110 = arith.muli %while3A_108, %mul3A_109 : i32
        %get3A = arith.index_cast %mul3A_110 : i32 to index
        %get3A_111 = arith.constant 0 : index
        %get3A_112 = tpu.vector_load %arg6[%get3A, %get3A_111] {strides = array<i32>} : memref<640x128xf32, #tpu.memory_space<vmem>>, vector<16xf32>,
        %get3A_113 = arith.index_cast %mul3A_110 : i32 to index
        %get3A_114 = arith.constant 16 : index
        %get3A_115 = tpu.vector_load %arg6[%get3A_113, %get3A_114] {strides = array<i32>} : memref<640x128xf32, #tpu.memory_space<vmem>>, vector<16xf32>,
        %add3A_116 = arith.constant 1 : i32
        %add3A_117 = arith.addi %mul3A_110, %add3A_116 : i32
        %get3A_118 = arith.index_cast %add3A_117 : i32 to index
        %get3A_119 = arith.constant 0 : index
        %get3A_120 = tpu.vector_load %arg6[%get3A_118, %get3A_119] {strides = array<i32>} : memref<640x128xf32, #tpu.memory_space<vmem>>, vector<16xf32>,
        %add3A_121 = arith.addf %get3A_112, %get3A_120 : vector<16xf32>
        %add3A_122 = arith.constant 1 : i32
        %add3A_123 = arith.addi %mul3A_110, %add3A_122 : i32
        %get3A_124 = arith.index_cast %add3A_123 : i32 to index
        %get3A_125 = arith.constant 16 : index
        %get3A_126 = tpu.vector_load %arg6[%get3A_124, %get3A_125] {strides = array<i32>} : memref<640x128xf32, #tpu.memory_space<vmem>>, vector<16xf32>,
        %add3A_127 = arith.addf %get3A_115, %get3A_126 : vector<16xf32>
        %add3A_128 = arith.constant 2 : i32
        %add3A_129 = arith.addi %mul3A_110, %add3A_128 : i32
        %get3A_130 = arith.index_cast %add3A_129 : i32 to index
        %get3A_131 = arith.constant 0 : index
        %get3A_132 = tpu.vector_load %arg6[%get3A_130, %get3A_131] {strides = array<i32>} : memref<640x128xf32, #tpu.memory_space<vmem>>, vector<16xf32>,
        %add3A_133 = arith.addf %add3A_121, %get3A_132 : vector<16xf32>
        %add3A_134 = arith.constant 2 : i32
        %add3A_135 = arith.addi %mul3A_110, %add3A_134 : i32
        %get3A_136 = arith.index_cast %add3A_135 : i32 to index
        %get3A_137 = arith.constant 16 : index
        %get3A_138 = tpu.vector_load %arg6[%get3A_136, %get3A_137] {strides = array<i32>} : memref<640x128xf32, #tpu.memory_space<vmem>>, vector<16xf32>,
        %add3A_139 = arith.addf %add3A_127, %get3A_138 : vector<16xf32>
        %add3A_140 = arith.constant 3 : i32
        %add3A_141 = arith.addi %mul3A_110, %add3A_140 : i32
        %get3A_142 = arith.index_cast %add3A_141 : i32 to index
        %get3A_143 = arith.constant 0 : index
        %get3A_144 = tpu.vector_load %arg6[%get3A_142, %get3A_143] {strides = array<i32>} : memref<640x128xf32, #tpu.memory_space<vmem>>, vector<16xf32>,
        %add3A_145 = arith.addf %add3A_133, %get3A_144 : vector<16xf32>
        %add3A_146 = arith.constant 3 : i32
        %add3A_147 = arith.addi %mul3A_110, %add3A_146 : i32
        %get3A_148 = arith.index_cast %add3A_147 : i32 to index
        %get3A_149 = arith.constant 16 : index
        %get3A_150 = tpu.vector_load %arg6[%get3A_148, %get3A_149] {strides = array<i32>} : memref<640x128xf32, #tpu.memory_space<vmem>>, vector<16xf32>,
        %add3A_151 = arith.addf %add3A_139, %get3A_150 : vector<16xf32>
        %add3A_152 = arith.constant 4 : i32
        %add3A_153 = arith.addi %mul3A_110, %add3A_152 : i32
        %get3A_154 = arith.index_cast %add3A_153 : i32 to index
        %get3A_155 = arith.constant 0 : index
        %get3A_156 = tpu.vector_load %arg6[%get3A_154, %get3A_155] {strides = array<i32>} : memref<640x128xf32, #tpu.memory_space<vmem>>, vector<16xf32>,
        %add3A_157 = arith.addf %add3A_145, %get3A_156 : vector<16xf32>
        %add3A_158 = arith.constant 4 : i32
        %add3A_159 = arith.addi %mul3A_110, %add3A_158 : i32
        %get3A_160 = arith.index_cast %add3A_159 : i32 to index
        %get3A_161 = arith.constant 16 : index
        %get3A_162 = tpu.vector_load %arg6[%get3A_160, %get3A_161] {strides = array<i32>} : memref<640x128xf32, #tpu.memory_space<vmem>>, vector<16xf32>,
        %add3A_163 = arith.addf %add3A_151, %get3A_162 : vector<16xf32>
        %add3A_164 = arith.constant 5 : i32
        %add3A_165 = arith.addi %mul3A_110, %add3A_164 : i32
        %get3A_166 = arith.index_cast %add3A_165 : i32 to index
        %get3A_167 = arith.constant 0 : index
        %get3A_168 = tpu.vector_load %arg6[%get3A_166, %get3A_167] {strides = array<i32>} : memref<640x128xf32, #tpu.memory_space<vmem>>, vector<16xf32>,
        %add3A_169 = arith.addf %add3A_157, %get3A_168 : vector<16xf32>
        %add3A_170 = arith.constant 5 : i32
        %add3A_171 = arith.addi %mul3A_110, %add3A_170 : i32
        %get3A_172 = arith.index_cast %add3A_171 : i32 to index
        %get3A_173 = arith.constant 16 : index
        %get3A_174 = tpu.vector_load %arg6[%get3A_172, %get3A_173] {strides = array<i32>} : memref<640x128xf32, #tpu.memory_space<vmem>>, vector<16xf32>,
        %add3A_175 = arith.addf %add3A_163, %get3A_174 : vector<16xf32>
        %add3A_176 = arith.constant 6 : i32
        %add3A_177 = arith.addi %mul3A_110, %add3A_176 : i32
        %get3A_178 = arith.index_cast %add3A_177 : i32 to index
        %get3A_179 = arith.constant 0 : index
        %get3A_180 = tpu.vector_load %arg6[%get3A_178, %get3A_179] {strides = array<i32>} : memref<640x128xf32, #tpu.memory_space<vmem>>, vector<16xf32>,
        %add3A_181 = arith.addf %add3A_169, %get3A_180 : vector<16xf32>
        %add3A_182 = arith.constant 6 : i32
        %add3A_183 = arith.addi %mul3A_110, %add3A_182 : i32
        %get3A_184 = arith.index_cast %add3A_183 : i32 to index
        %get3A_185 = arith.constant 16 : index
        %get3A_186 = tpu.vector_load %arg6[%get3A_184, %get3A_185] {strides = array<i32>} : memref<640x128xf32, #tpu.memory_space<vmem>>, vector<16xf32>,
        %add3A_187 = arith.addf %add3A_175, %get3A_186 : vector<16xf32>
        %add3A_188 = arith.constant 7 : i32
        %add3A_189 = arith.addi %mul3A_110, %add3A_188 : i32
        %get3A_190 = arith.index_cast %add3A_189 : i32 to index
        %get3A_191 = arith.constant 0 : index
        %get3A_192 = tpu.vector_load %arg6[%get3A_190, %get3A_191] {strides = array<i32>} : memref<640x128xf32, #tpu.memory_space<vmem>>, vector<16xf32>,
        %add3A_193 = arith.addf %add3A_181, %get3A_192 : vector<16xf32>
        %add3A_194 = arith.constant 7 : i32
        %add3A_195 = arith.addi %mul3A_110, %add3A_194 : i32
        %get3A_196 = arith.index_cast %add3A_195 : i32 to index
        %get3A_197 = arith.constant 16 : index
        %get3A_198 = tpu.vector_load %arg6[%get3A_196, %get3A_197] {strides = array<i32>} : memref<640x128xf32, #tpu.memory_space<vmem>>, vector<16xf32>,
        %add3A_199 = arith.addf %add3A_187, %get3A_198 : vector<16xf32>
        %add3A_200 = arith.constant 8 : i32
        %add3A_201 = arith.addi %mul3A_110, %add3A_200 : i32
        %get3A_202 = arith.index_cast %add3A_201 : i32 to index
        %get3A_203 = arith.constant 0 : index
        %get3A_204 = tpu.vector_load %arg6[%get3A_202, %get3A_203] {strides = array<i32>} : memref<640x128xf32, #tpu.memory_space<vmem>>, vector<16xf32>,
        %add3A_205 = arith.addf %add3A_193, %get3A_204 : vector<16xf32>
        %add3A_206 = arith.constant 8 : i32
        %add3A_207 = arith.addi %mul3A_110, %add3A_206 : i32
        %get3A_208 = arith.index_cast %add3A_207 : i32 to index
        %get3A_209 = arith.constant 16 : index
        %get3A_210 = tpu.vector_load %arg6[%get3A_208, %get3A_209] {strides = array<i32>} : memref<640x128xf32, #tpu.memory_space<vmem>>, vector<16xf32>,
        %add3A_211 = arith.addf %add3A_199, %get3A_210 : vector<16xf32>
        %add3A_212 = arith.constant 9 : i32
        %add3A_213 = arith.addi %mul3A_110, %add3A_212 : i32
        %get3A_214 = arith.index_cast %add3A_213 : i32 to index
        %get3A_215 = arith.constant 0 : index
        %get3A_216 = tpu.vector_load %arg6[%get3A_214, %get3A_215] {strides = array<i32>} : memref<640x128xf32, #tpu.memory_space<vmem>>, vector<16xf32>,
        %add3A_217 = arith.addf %add3A_205, %get3A_216 : vector<16xf32>
        %add3A_218 = arith.constant 9 : i32
        %add3A_219 = arith.addi %mul3A_110, %add3A_218 : i32
        %get3A_220 = arith.index_cast %add3A_219 : i32 to index
        %get3A_221 = arith.constant 16 : index
        %get3A_222 = tpu.vector_load %arg6[%get3A_220, %get3A_221] {strides = array<i32>} : memref<640x128xf32, #tpu.memory_space<vmem>>, vector<16xf32>,
        %add3A_223 = arith.addf %add3A_211, %get3A_222 : vector<16xf32>
        %add3A_224 = arith.constant 10 : i32
        %add3A_225 = arith.addi %mul3A_110, %add3A_224 : i32
        %get3A_226 = arith.index_cast %add3A_225 : i32 to index
        %get3A_227 = arith.constant 0 : index
        %get3A_228 = tpu.vector_load %arg6[%get3A_226, %get3A_227] {strides = array<i32>} : memref<640x128xf32, #tpu.memory_space<vmem>>, vector<16xf32>,
        %add3A_229 = arith.addf %add3A_217, %get3A_228 : vector<16xf32>
        %add3A_230 = arith.constant 10 : i32
        %add3A_231 = arith.addi %mul3A_110, %add3A_230 : i32
        %get3A_232 = arith.index_cast %add3A_231 : i32 to index
        %get3A_233 = arith.constant 16 : index
        %get3A_234 = tpu.vector_load %arg6[%get3A_232, %get3A_233] {strides = array<i32>} : memref<640x128xf32, #tpu.memory_space<vmem>>, vector<16xf32>,
        %add3A_235 = arith.addf %add3A_223, %get3A_234 : vector<16xf32>
        %add3A_236 = arith.constant 11 : i32
        %add3A_237 = arith.addi %mul3A_110, %add3A_236 : i32
        %get3A_238 = arith.index_cast %add3A_237 : i32 to index
        %get3A_239 = arith.constant 0 : index
        %get3A_240 = tpu.vector_load %arg6[%get3A_238, %get3A_239] {strides = array<i32>} : memref<640x128xf32, #tpu.memory_space<vmem>>, vector<16xf32>,
        %add3A_241 = arith.addf %add3A_229, %get3A_240 : vector<16xf32>
        %add3A_242 = arith.constant 11 : i32
        %add3A_243 = arith.addi %mul3A_110, %add3A_242 : i32
        %get3A_244 = arith.index_cast %add3A_243 : i32 to index
        %get3A_245 = arith.constant 16 : index
        %get3A_246 = tpu.vector_load %arg6[%get3A_244, %get3A_245] {strides = array<i32>} : memref<640x128xf32, #tpu.memory_space<vmem>>, vector<16xf32>,
        %add3A_247 = arith.addf %add3A_235, %get3A_246 : vector<16xf32>
        %add3A_248 = arith.constant 12 : i32
        %add3A_249 = arith.addi %mul3A_110, %add3A_248 : i32
        %get3A_250 = arith.index_cast %add3A_249 : i32 to index
        %get3A_251 = arith.constant 0 : index
        %get3A_252 = tpu.vector_load %arg6[%get3A_250, %get3A_251] {strides = array<i32>} : memref<640x128xf32, #tpu.memory_space<vmem>>, vector<16xf32>,
        %add3A_253 = arith.addf %add3A_241, %get3A_252 : vector<16xf32>
        %add3A_254 = arith.constant 12 : i32
        %add3A_255 = arith.addi %mul3A_110, %add3A_254 : i32
        %get3A_256 = arith.index_cast %add3A_255 : i32 to index
        %get3A_257 = arith.constant 16 : index
        %get3A_258 = tpu.vector_load %arg6[%get3A_256, %get3A_257] {strides = array<i32>} : memref<640x128xf32, #tpu.memory_space<vmem>>, vector<16xf32>,
        %add3A_259 = arith.addf %add3A_247, %get3A_258 : vector<16xf32>
        %add3A_260 = arith.constant 13 : i32
        %add3A_261 = arith.addi %mul3A_110, %add3A_260 : i32
        %get3A_262 = arith.index_cast %add3A_261 : i32 to index
        %get3A_263 = arith.constant 0 : index
        %get3A_264 = tpu.vector_load %arg6[%get3A_262, %get3A_263] {strides = array<i32>} : memref<640x128xf32, #tpu.memory_space<vmem>>, vector<16xf32>,
        %add3A_265 = arith.addf %add3A_253, %get3A_264 : vector<16xf32>
        %add3A_266 = arith.constant 13 : i32
        %add3A_267 = arith.addi %mul3A_110, %add3A_266 : i32
        %get3A_268 = arith.index_cast %add3A_267 : i32 to index
        %get3A_269 = arith.constant 16 : index
        %get3A_270 = tpu.vector_load %arg6[%get3A_268, %get3A_269] {strides = array<i32>} : memref<640x128xf32, #tpu.memory_space<vmem>>, vector<16xf32>,
        %add3A_271 = arith.addf %add3A_259, %get3A_270 : vector<16xf32>
        %add3A_272 = arith.constant 14 : i32
        %add3A_273 = arith.addi %mul3A_110, %add3A_272 : i32
        %get3A_274 = arith.index_cast %add3A_273 : i32 to index
        %get3A_275 = arith.constant 0 : index
        %get3A_276 = tpu.vector_load %arg6[%get3A_274, %get3A_275] {strides = array<i32>} : memref<640x128xf32, #tpu.memory_space<vmem>>, vector<16xf32>,
        %add3A_277 = arith.addf %add3A_265, %get3A_276 : vector<16xf32>
        %add3A_278 = arith.constant 14 : i32
        %add3A_279 = arith.addi %mul3A_110, %add3A_278 : i32
        %get3A_280 = arith.index_cast %add3A_279 : i32 to index
        %get3A_281 = arith.constant 16 : index
        %get3A_282 = tpu.vector_load %arg6[%get3A_280, %get3A_281] {strides = array<i32>} : memref<640x128xf32, #tpu.memory_space<vmem>>, vector<16xf32>,
        %add3A_283 = arith.addf %add3A_271, %get3A_282 : vector<16xf32>
        %add3A_284 = arith.constant 15 : i32
        %add3A_285 = arith.addi %mul3A_110, %add3A_284 : i32
        %get3A_286 = arith.index_cast %add3A_285 : i32 to index
        %get3A_287 = arith.constant 0 : index
        %get3A_288 = tpu.vector_load %arg6[%get3A_286, %get3A_287] {strides = array<i32>} : memref<640x128xf32, #tpu.memory_space<vmem>>, vector<16xf32>,
        %add3A_289 = arith.addf %add3A_277, %get3A_288 : vector<16xf32>
        %add3A_290 = arith.constant 15 : i32
        %add3A_291 = arith.addi %mul3A_110, %add3A_290 : i32
        %get3A_292 = arith.index_cast %add3A_291 : i32 to index
        %get3A_293 = arith.constant 16 : index
        %get3A_294 = tpu.vector_load %arg6[%get3A_292, %get3A_293] {strides = array<i32>} : memref<640x128xf32, #tpu.memory_space<vmem>>, vector<16xf32>,
        %add3A_295 = arith.addf %add3A_283, %get3A_294 : vector<16xf32>
        %add3A_296 = arith.constant 16 : i32
        %add3A_297 = arith.addi %mul3A_110, %add3A_296 : i32
        %get3A_298 = arith.index_cast %add3A_297 : i32 to index
        %get3A_299 = arith.constant 0 : index
        %get3A_300 = tpu.vector_load %arg6[%get3A_298, %get3A_299] {strides = array<i32>} : memref<640x128xf32, #tpu.memory_space<vmem>>, vector<16xf32>,
        %add3A_301 = arith.addf %add3A_289, %get3A_300 : vector<16xf32>
        %add3A_302 = arith.constant 16 : i32
        %add3A_303 = arith.addi %mul3A_110, %add3A_302 : i32
        %get3A_304 = arith.index_cast %add3A_303 : i32 to index
        %get3A_305 = arith.constant 16 : index
        %get3A_306 = tpu.vector_load %arg6[%get3A_304, %get3A_305] {strides = array<i32>} : memref<640x128xf32, #tpu.memory_space<vmem>>, vector<16xf32>,
        %add3A_307 = arith.addf %add3A_295, %get3A_306 : vector<16xf32>
        %add3A_308 = arith.constant 17 : i32
        %add3A_309 = arith.addi %mul3A_110, %add3A_308 : i32
        %get3A_310 = arith.index_cast %add3A_309 : i32 to index
        %get3A_311 = arith.constant 0 : index
        %get3A_312 = tpu.vector_load %arg6[%get3A_310, %get3A_311] {strides = array<i32>} : memref<640x128xf32, #tpu.memory_space<vmem>>, vector<16xf32>,
        %add3A_313 = arith.addf %add3A_301, %get3A_312 : vector<16xf32>
        %add3A_314 = arith.constant 17 : i32
        %add3A_315 = arith.addi %mul3A_110, %add3A_314 : i32
        %get3A_316 = arith.index_cast %add3A_315 : i32 to index
        %get3A_317 = arith.constant 16 : index
        %get3A_318 = tpu.vector_load %arg6[%get3A_316, %get3A_317] {strides = array<i32>} : memref<640x128xf32, #tpu.memory_space<vmem>>, vector<16xf32>,
        %add3A_319 = arith.addf %add3A_307, %get3A_318 : vector<16xf32>
        %add3A_320 = arith.constant 18 : i32
        %add3A_321 = arith.addi %mul3A_110, %add3A_320 : i32
        %get3A_322 = arith.index_cast %add3A_321 : i32 to index
        %get3A_323 = arith.constant 0 : index
        %get3A_324 = tpu.vector_load %arg6[%get3A_322, %get3A_323] {strides = array<i32>} : memref<640x128xf32, #tpu.memory_space<vmem>>, vector<16xf32>,
        %add3A_325 = arith.addf %add3A_313, %get3A_324 : vector<16xf32>
        %add3A_326 = arith.constant 18 : i32
        %add3A_327 = arith.addi %mul3A_110, %add3A_326 : i32
        %get3A_328 = arith.index_cast %add3A_327 : i32 to index
        %get3A_329 = arith.constant 16 : index
        %get3A_330 = tpu.vector_load %arg6[%get3A_328, %get3A_329] {strides = array<i32>} : memref<640x128xf32, #tpu.memory_space<vmem>>, vector<16xf32>,
        %add3A_331 = arith.addf %add3A_319, %get3A_330 : vector<16xf32>
        %add3A_332 = arith.constant 19 : i32
        %add3A_333 = arith.addi %mul3A_110, %add3A_332 : i32
        %get3A_334 = arith.index_cast %add3A_333 : i32 to index
        %get3A_335 = arith.constant 0 : index
        %get3A_336 = tpu.vector_load %arg6[%get3A_334, %get3A_335] {strides = array<i32>} : memref<640x128xf32, #tpu.memory_space<vmem>>, vector<16xf32>,
        %add3A_337 = arith.addf %add3A_325, %get3A_336 : vector<16xf32>
        %add3A_338 = arith.constant 19 : i32
        %add3A_339 = arith.addi %mul3A_110, %add3A_338 : i32
        %get3A_340 = arith.index_cast %add3A_339 : i32 to index
        %get3A_341 = arith.constant 16 : index
        %get3A_342 = tpu.vector_load %arg6[%get3A_340, %get3A_341] {strides = array<i32>} : memref<640x128xf32, #tpu.memory_space<vmem>>, vector<16xf32>,
        %add3A_343 = arith.addf %add3A_331, %get3A_342 : vector<16xf32>
        %mul3A_344 = arith.constant 5.000000e-02 : f32
        %mul3A_345 = vector.broadcast %mul3A_344 : f32 to vector<16xf32>
        %mul3A_346 = arith.mulf %add3A_337, %mul3A_345 : vector<16xf32>
        %swap3A = arith.index_cast %while3A_108 : i32 to index
        %swap3A_347 = arith.constant 0 : index
        %swap3A_348 = tpu.vector_load %arg7[%swap3A, %swap3A_347] {strides = array<i32>} : memref<32x32xf32, #tpu.memory_space<vmem>>, vector<16xf32>,
        tpu.vector_store %arg7[%swap3A, %swap3A_347], %mul3A_346 {strides = array<i32>} : memref<32x32xf32, #tpu.memory_space<vmem>>, vector<16xf32>,
        %mul3A_349 = arith.constant 5.000000e-02 : f32
        %mul3A_350 = vector.broadcast %mul3A_349 : f32 to vector<16xf32>
        %mul3A_351 = arith.mulf %add3A_343, %mul3A_350 : vector<16xf32>
        %swap3A_352 = arith.index_cast %while3A_108 : i32 to index
        %swap3A_353 = arith.constant 16 : index
        %swap3A_354 = tpu.vector_load %arg7[%swap3A_352, %swap3A_353] {strides = array<i32>} : memref<32x32xf32, #tpu.memory_space<vmem>>, vector<16xf32>,
        tpu.vector_store %arg7[%swap3A_352, %swap3A_353], %mul3A_351 {strides = array<i32>} : memref<32x32xf32, #tpu.memory_space<vmem>>, vector<16xf32>,
      }
      %while3A_107 = arith.constant 1 : i32
      scf.for %while3A_108 = %while3A_105 to %while3A_101 step %while3A_107  : i32 {
        %mul3A_109 = arith.constant 20 : i32
        %mul3A_110 = arith.muli %while3A_108, %mul3A_109 : i32
        %get3A = arith.index_cast %mul3A_110 : i32 to index
        %get3A_111 = arith.constant 0 : index
        %get3A_112 = tpu.vector_load %arg6[%get3A, %get3A_111] {strides = array<i32>} : memref<640x128xf32, #tpu.memory_space<vmem>>, vector<16xf32>,
        %get3A_113 = arith.index_cast %mul3A_110 : i32 to index
        %get3A_114 = arith.constant 16 : index
        %get3A_115 = tpu.vector_load %arg6[%get3A_113, %get3A_114] {strides = array<i32>} : memref<640x128xf32, #tpu.memory_space<vmem>>, vector<16xf32>,
        %add3A_116 = arith.constant 1 : i32
        %add3A_117 = arith.addi %mul3A_110, %add3A_116 : i32
        %get3A_118 = arith.index_cast %add3A_117 : i32 to index
        %get3A_119 = arith.constant 0 : index
        %get3A_120 = tpu.vector_load %arg6[%get3A_118, %get3A_119] {strides = array<i32>} : memref<640x128xf32, #tpu.memory_space<vmem>>, vector<16xf32>,
        %add3A_121 = arith.addf %get3A_112, %get3A_120 : vector<16xf32>
        %add3A_122 = arith.constant 1 : i32
        %add3A_123 = arith.addi %mul3A_110, %add3A_122 : i32
        %get3A_124 = arith.index_cast %add3A_123 : i32 to index
        %get3A_125 = arith.constant 16 : index
        %get3A_126 = tpu.vector_load %arg6[%get3A_124, %get3A_125] {strides = array<i32>} : memref<640x128xf32, #tpu.memory_space<vmem>>, vector<16xf32>,
        %add3A_127 = arith.addf %get3A_115, %get3A_126 : vector<16xf32>
        %add3A_128 = arith.constant 2 : i32
        %add3A_129 = arith.addi %mul3A_110, %add3A_128 : i32
        %get3A_130 = arith.index_cast %add3A_129 : i32 to index
        %get3A_131 = arith.constant 0 : index
        %get3A_132 = tpu.vector_load %arg6[%get3A_130, %get3A_131] {strides = array<i32>} : memref<640x128xf32, #tpu.memory_space<vmem>>, vector<16xf32>,
        %add3A_133 = arith.addf %add3A_121, %get3A_132 : vector<16xf32>
        %add3A_134 = arith.constant 2 : i32
        %add3A_135 = arith.addi %mul3A_110, %add3A_134 : i32
        %get3A_136 = arith.index_cast %add3A_135 : i32 to index
        %get3A_137 = arith.constant 16 : index
        %get3A_138 = tpu.vector_load %arg6[%get3A_136, %get3A_137] {strides = array<i32>} : memref<640x128xf32, #tpu.memory_space<vmem>>, vector<16xf32>,
        %add3A_139 = arith.addf %add3A_127, %get3A_138 : vector<16xf32>
        %add3A_140 = arith.constant 3 : i32
        %add3A_141 = arith.addi %mul3A_110, %add3A_140 : i32
        %get3A_142 = arith.index_cast %add3A_141 : i32 to index
        %get3A_143 = arith.constant 0 : index
        %get3A_144 = tpu.vector_load %arg6[%get3A_142, %get3A_143] {strides = array<i32>} : memref<640x128xf32, #tpu.memory_space<vmem>>, vector<16xf32>,
        %add3A_145 = arith.addf %add3A_133, %get3A_144 : vector<16xf32>
        %add3A_146 = arith.constant 3 : i32
        %add3A_147 = arith.addi %mul3A_110, %add3A_146 : i32
        %get3A_148 = arith.index_cast %add3A_147 : i32 to index
        %get3A_149 = arith.constant 16 : index
        %get3A_150 = tpu.vector_load %arg6[%get3A_148, %get3A_149] {strides = array<i32>} : memref<640x128xf32, #tpu.memory_space<vmem>>, vector<16xf32>,
        %add3A_151 = arith.addf %add3A_139, %get3A_150 : vector<16xf32>
        %add3A_152 = arith.constant 4 : i32
        %add3A_153 = arith.addi %mul3A_110, %add3A_152 : i32
        %get3A_154 = arith.index_cast %add3A_153 : i32 to index
        %get3A_155 = arith.constant 0 : index
        %get3A_156 = tpu.vector_load %arg6[%get3A_154, %get3A_155] {strides = array<i32>} : memref<640x128xf32, #tpu.memory_space<vmem>>, vector<16xf32>,
        %add3A_157 = arith.addf %add3A_145, %get3A_156 : vector<16xf32>
        %add3A_158 = arith.constant 4 : i32
        %add3A_159 = arith.addi %mul3A_110, %add3A_158 : i32
        %get3A_160 = arith.index_cast %add3A_159 : i32 to index
        %get3A_161 = arith.constant 16 : index
        %get3A_162 = tpu.vector_load %arg6[%get3A_160, %get3A_161] {strides = array<i32>} : memref<640x128xf32, #tpu.memory_space<vmem>>, vector<16xf32>,
        %add3A_163 = arith.addf %add3A_151, %get3A_162 : vector<16xf32>
        %add3A_164 = arith.constant 5 : i32
        %add3A_165 = arith.addi %mul3A_110, %add3A_164 : i32
        %get3A_166 = arith.index_cast %add3A_165 : i32 to index
        %get3A_167 = arith.constant 0 : index
        %get3A_168 = tpu.vector_load %arg6[%get3A_166, %get3A_167] {strides = array<i32>} : memref<640x128xf32, #tpu.memory_space<vmem>>, vector<16xf32>,
        %add3A_169 = arith.addf %add3A_157, %get3A_168 : vector<16xf32>
        %add3A_170 = arith.constant 5 : i32
        %add3A_171 = arith.addi %mul3A_110, %add3A_170 : i32
        %get3A_172 = arith.index_cast %add3A_171 : i32 to index
        %get3A_173 = arith.constant 16 : index
        %get3A_174 = tpu.vector_load %arg6[%get3A_172, %get3A_173] {strides = array<i32>} : memref<640x128xf32, #tpu.memory_space<vmem>>, vector<16xf32>,
        %add3A_175 = arith.addf %add3A_163, %get3A_174 : vector<16xf32>
        %add3A_176 = arith.constant 6 : i32
        %add3A_177 = arith.addi %mul3A_110, %add3A_176 : i32
        %get3A_178 = arith.index_cast %add3A_177 : i32 to index
        %get3A_179 = arith.constant 0 : index
        %get3A_180 = tpu.vector_load %arg6[%get3A_178, %get3A_179] {strides = array<i32>} : memref<640x128xf32, #tpu.memory_space<vmem>>, vector<16xf32>,
        %add3A_181 = arith.addf %add3A_169, %get3A_180 : vector<16xf32>
        %add3A_182 = arith.constant 6 : i32
        %add3A_183 = arith.addi %mul3A_110, %add3A_182 : i32
        %get3A_184 = arith.index_cast %add3A_183 : i32 to index
        %get3A_185 = arith.constant 16 : index
        %get3A_186 = tpu.vector_load %arg6[%get3A_184, %get3A_185] {strides = array<i32>} : memref<640x128xf32, #tpu.memory_space<vmem>>, vector<16xf32>,
        %add3A_187 = arith.addf %add3A_175, %get3A_186 : vector<16xf32>
        %add3A_188 = arith.constant 7 : i32
        %add3A_189 = arith.addi %mul3A_110, %add3A_188 : i32
        %get3A_190 = arith.index_cast %add3A_189 : i32 to index
        %get3A_191 = arith.constant 0 : index
        %get3A_192 = tpu.vector_load %arg6[%get3A_190, %get3A_191] {strides = array<i32>} : memref<640x128xf32, #tpu.memory_space<vmem>>, vector<16xf32>,
        %add3A_193 = arith.addf %add3A_181, %get3A_192 : vector<16xf32>
        %add3A_194 = arith.constant 7 : i32
        %add3A_195 = arith.addi %mul3A_110, %add3A_194 : i32
        %get3A_196 = arith.index_cast %add3A_195 : i32 to index
        %get3A_197 = arith.constant 16 : index
        %get3A_198 = tpu.vector_load %arg6[%get3A_196, %get3A_197] {strides = array<i32>} : memref<640x128xf32, #tpu.memory_space<vmem>>, vector<16xf32>,
        %add3A_199 = arith.addf %add3A_187, %get3A_198 : vector<16xf32>
        %add3A_200 = arith.constant 8 : i32
        %add3A_201 = arith.addi %mul3A_110, %add3A_200 : i32
        %get3A_202 = arith.index_cast %add3A_201 : i32 to index
        %get3A_203 = arith.constant 0 : index
        %get3A_204 = tpu.vector_load %arg6[%get3A_202, %get3A_203] {strides = array<i32>} : memref<640x128xf32, #tpu.memory_space<vmem>>, vector<16xf32>,
        %add3A_205 = arith.addf %add3A_193, %get3A_204 : vector<16xf32>
        %add3A_206 = arith.constant 8 : i32
        %add3A_207 = arith.addi %mul3A_110, %add3A_206 : i32
        %get3A_208 = arith.index_cast %add3A_207 : i32 to index
        %get3A_209 = arith.constant 16 : index
        %get3A_210 = tpu.vector_load %arg6[%get3A_208, %get3A_209] {strides = array<i32>} : memref<640x128xf32, #tpu.memory_space<vmem>>, vector<16xf32>,
        %add3A_211 = arith.addf %add3A_199, %get3A_210 : vector<16xf32>
        %add3A_212 = arith.constant 9 : i32
        %add3A_213 = arith.addi %mul3A_110, %add3A_212 : i32
        %get3A_214 = arith.index_cast %add3A_213 : i32 to index
        %get3A_215 = arith.constant 0 : index
        %get3A_216 = tpu.vector_load %arg6[%get3A_214, %get3A_215] {strides = array<i32>} : memref<640x128xf32, #tpu.memory_space<vmem>>, vector<16xf32>,
        %add3A_217 = arith.addf %add3A_205, %get3A_216 : vector<16xf32>
        %add3A_218 = arith.constant 9 : i32
        %add3A_219 = arith.addi %mul3A_110, %add3A_218 : i32
        %get3A_220 = arith.index_cast %add3A_219 : i32 to index
        %get3A_221 = arith.constant 16 : index
        %get3A_222 = tpu.vector_load %arg6[%get3A_220, %get3A_221] {strides = array<i32>} : memref<640x128xf32, #tpu.memory_space<vmem>>, vector<16xf32>,
        %add3A_223 = arith.addf %add3A_211, %get3A_222 : vector<16xf32>
        %add3A_224 = arith.constant 10 : i32
        %add3A_225 = arith.addi %mul3A_110, %add3A_224 : i32
        %get3A_226 = arith.index_cast %add3A_225 : i32 to index
        %get3A_227 = arith.constant 0 : index
        %get3A_228 = tpu.vector_load %arg6[%get3A_226, %get3A_227] {strides = array<i32>} : memref<640x128xf32, #tpu.memory_space<vmem>>, vector<16xf32>,
        %add3A_229 = arith.addf %add3A_217, %get3A_228 : vector<16xf32>
        %add3A_230 = arith.constant 10 : i32
        %add3A_231 = arith.addi %mul3A_110, %add3A_230 : i32
        %get3A_232 = arith.index_cast %add3A_231 : i32 to index
        %get3A_233 = arith.constant 16 : index
        %get3A_234 = tpu.vector_load %arg6[%get3A_232, %get3A_233] {strides = array<i32>} : memref<640x128xf32, #tpu.memory_space<vmem>>, vector<16xf32>,
        %add3A_235 = arith.addf %add3A_223, %get3A_234 : vector<16xf32>
        %add3A_236 = arith.constant 11 : i32
        %add3A_237 = arith.addi %mul3A_110, %add3A_236 : i32
        %get3A_238 = arith.index_cast %add3A_237 : i32 to index
        %get3A_239 = arith.constant 0 : index
        %get3A_240 = tpu.vector_load %arg6[%get3A_238, %get3A_239] {strides = array<i32>} : memref<640x128xf32, #tpu.memory_space<vmem>>, vector<16xf32>,
        %add3A_241 = arith.addf %add3A_229, %get3A_240 : vector<16xf32>
        %add3A_242 = arith.constant 11 : i32
        %add3A_243 = arith.addi %mul3A_110, %add3A_242 : i32
        %get3A_244 = arith.index_cast %add3A_243 : i32 to index
        %get3A_245 = arith.constant 16 : index
        %get3A_246 = tpu.vector_load %arg6[%get3A_244, %get3A_245] {strides = array<i32>} : memref<640x128xf32, #tpu.memory_space<vmem>>, vector<16xf32>,
        %add3A_247 = arith.addf %add3A_235, %get3A_246 : vector<16xf32>
        %add3A_248 = arith.constant 12 : i32
        %add3A_249 = arith.addi %mul3A_110, %add3A_248 : i32
        %get3A_250 = arith.index_cast %add3A_249 : i32 to index
        %get3A_251 = arith.constant 0 : index
        %get3A_252 = tpu.vector_load %arg6[%get3A_250, %get3A_251] {strides = array<i32>} : memref<640x128xf32, #tpu.memory_space<vmem>>, vector<16xf32>,
        %add3A_253 = arith.addf %add3A_241, %get3A_252 : vector<16xf32>
        %add3A_254 = arith.constant 12 : i32
        %add3A_255 = arith.addi %mul3A_110, %add3A_254 : i32
        %get3A_256 = arith.index_cast %add3A_255 : i32 to index
        %get3A_257 = arith.constant 16 : index
        %get3A_258 = tpu.vector_load %arg6[%get3A_256, %get3A_257] {strides = array<i32>} : memref<640x128xf32, #tpu.memory_space<vmem>>, vector<16xf32>,
        %add3A_259 = arith.addf %add3A_247, %get3A_258 : vector<16xf32>
        %add3A_260 = arith.constant 13 : i32
        %add3A_261 = arith.addi %mul3A_110, %add3A_260 : i32
        %get3A_262 = arith.index_cast %add3A_261 : i32 to index
        %get3A_263 = arith.constant 0 : index
        %get3A_264 = tpu.vector_load %arg6[%get3A_262, %get3A_263] {strides = array<i32>} : memref<640x128xf32, #tpu.memory_space<vmem>>, vector<16xf32>,
        %add3A_265 = arith.addf %add3A_253, %get3A_264 : vector<16xf32>
        %add3A_266 = arith.constant 13 : i32
        %add3A_267 = arith.addi %mul3A_110, %add3A_266 : i32
        %get3A_268 = arith.index_cast %add3A_267 : i32 to index
        %get3A_269 = arith.constant 16 : index
        %get3A_270 = tpu.vector_load %arg6[%get3A_268, %get3A_269] {strides = array<i32>} : memref<640x128xf32, #tpu.memory_space<vmem>>, vector<16xf32>,
        %add3A_271 = arith.addf %add3A_259, %get3A_270 : vector<16xf32>
        %add3A_272 = arith.constant 14 : i32
        %add3A_273 = arith.addi %mul3A_110, %add3A_272 : i32
        %get3A_274 = arith.index_cast %add3A_273 : i32 to index
        %get3A_275 = arith.constant 0 : index
        %get3A_276 = tpu.vector_load %arg6[%get3A_274, %get3A_275] {strides = array<i32>} : memref<640x128xf32, #tpu.memory_space<vmem>>, vector<16xf32>,
        %add3A_277 = arith.addf %add3A_265, %get3A_276 : vector<16xf32>
        %add3A_278 = arith.constant 14 : i32
        %add3A_279 = arith.addi %mul3A_110, %add3A_278 : i32
        %get3A_280 = arith.index_cast %add3A_279 : i32 to index
        %get3A_281 = arith.constant 16 : index
        %get3A_282 = tpu.vector_load %arg6[%get3A_280, %get3A_281] {strides = array<i32>} : memref<640x128xf32, #tpu.memory_space<vmem>>, vector<16xf32>,
        %add3A_283 = arith.addf %add3A_271, %get3A_282 : vector<16xf32>
        %add3A_284 = arith.constant 15 : i32
        %add3A_285 = arith.addi %mul3A_110, %add3A_284 : i32
        %get3A_286 = arith.index_cast %add3A_285 : i32 to index
        %get3A_287 = arith.constant 0 : index
        %get3A_288 = tpu.vector_load %arg6[%get3A_286, %get3A_287] {strides = array<i32>} : memref<640x128xf32, #tpu.memory_space<vmem>>, vector<16xf32>,
        %add3A_289 = arith.addf %add3A_277, %get3A_288 : vector<16xf32>
        %add3A_290 = arith.constant 15 : i32
        %add3A_291 = arith.addi %mul3A_110, %add3A_290 : i32
        %get3A_292 = arith.index_cast %add3A_291 : i32 to index
        %get3A_293 = arith.constant 16 : index
        %get3A_294 = tpu.vector_load %arg6[%get3A_292, %get3A_293] {strides = array<i32>} : memref<640x128xf32, #tpu.memory_space<vmem>>, vector<16xf32>,
        %add3A_295 = arith.addf %add3A_283, %get3A_294 : vector<16xf32>
        %add3A_296 = arith.constant 16 : i32
        %add3A_297 = arith.addi %mul3A_110, %add3A_296 : i32
        %get3A_298 = arith.index_cast %add3A_297 : i32 to index
        %get3A_299 = arith.constant 0 : index
        %get3A_300 = tpu.vector_load %arg6[%get3A_298, %get3A_299] {strides = array<i32>} : memref<640x128xf32, #tpu.memory_space<vmem>>, vector<16xf32>,
        %add3A_301 = arith.addf %add3A_289, %get3A_300 : vector<16xf32>
        %add3A_302 = arith.constant 16 : i32
        %add3A_303 = arith.addi %mul3A_110, %add3A_302 : i32
        %get3A_304 = arith.index_cast %add3A_303 : i32 to index
        %get3A_305 = arith.constant 16 : index
        %get3A_306 = tpu.vector_load %arg6[%get3A_304, %get3A_305] {strides = array<i32>} : memref<640x128xf32, #tpu.memory_space<vmem>>, vector<16xf32>,
        %add3A_307 = arith.addf %add3A_295, %get3A_306 : vector<16xf32>
        %add3A_308 = arith.constant 17 : i32
        %add3A_309 = arith.addi %mul3A_110, %add3A_308 : i32
        %get3A_310 = arith.index_cast %add3A_309 : i32 to index
        %get3A_311 = arith.constant 0 : index
        %get3A_312 = tpu.vector_load %arg6[%get3A_310, %get3A_311] {strides = array<i32>} : memref<640x128xf32, #tpu.memory_space<vmem>>, vector<16xf32>,
        %add3A_313 = arith.addf %add3A_301, %get3A_312 : vector<16xf32>
        %add3A_314 = arith.constant 17 : i32
        %add3A_315 = arith.addi %mul3A_110, %add3A_314 : i32
        %get3A_316 = arith.index_cast %add3A_315 : i32 to index
        %get3A_317 = arith.constant 16 : index
        %get3A_318 = tpu.vector_load %arg6[%get3A_316, %get3A_317] {strides = array<i32>} : memref<640x128xf32, #tpu.memory_space<vmem>>, vector<16xf32>,
        %add3A_319 = arith.addf %add3A_307, %get3A_318 : vector<16xf32>
        %add3A_320 = arith.constant 18 : i32
        %add3A_321 = arith.addi %mul3A_110, %add3A_320 : i32
        %get3A_322 = arith.index_cast %add3A_321 : i32 to index
        %get3A_323 = arith.constant 0 : index
        %get3A_324 = tpu.vector_load %arg6[%get3A_322, %get3A_323] {strides = array<i32>} : memref<640x128xf32, #tpu.memory_space<vmem>>, vector<16xf32>,
        %add3A_325 = arith.addf %add3A_313, %get3A_324 : vector<16xf32>
        %add3A_326 = arith.constant 18 : i32
        %add3A_327 = arith.addi %mul3A_110, %add3A_326 : i32
        %get3A_328 = arith.index_cast %add3A_327 : i32 to index
        %get3A_329 = arith.constant 16 : index
        %get3A_330 = tpu.vector_load %arg6[%get3A_328, %get3A_329] {strides = array<i32>} : memref<640x128xf32, #tpu.memory_space<vmem>>, vector<16xf32>,
        %add3A_331 = arith.addf %add3A_319, %get3A_330 : vector<16xf32>
        %add3A_332 = arith.constant 19 : i32
        %add3A_333 = arith.addi %mul3A_110, %add3A_332 : i32
        %get3A_334 = arith.index_cast %add3A_333 : i32 to index
        %get3A_335 = arith.constant 0 : index
        %get3A_336 = tpu.vector_load %arg6[%get3A_334, %get3A_335] {strides = array<i32>} : memref<640x128xf32, #tpu.memory_space<vmem>>, vector<16xf32>,
        %add3A_337 = arith.addf %add3A_325, %get3A_336 : vector<16xf32>
        %add3A_338 = arith.constant 19 : i32
        %add3A_339 = arith.addi %mul3A_110, %add3A_338 : i32
        %get3A_340 = arith.index_cast %add3A_339 : i32 to index
        %get3A_341 = arith.constant 16 : index
        %get3A_342 = tpu.vector_load %arg6[%get3A_340, %get3A_341] {strides = array<i32>} : memref<640x128xf32, #tpu.memory_space<vmem>>, vector<16xf32>,
        %add3A_343 = arith.addf %add3A_331, %get3A_342 : vector<16xf32>
        %mul3A_344 = arith.constant 5.000000e-02 : f32
        %mul3A_345 = vector.broadcast %mul3A_344 : f32 to vector<16xf32>
        %mul3A_346 = arith.mulf %add3A_337, %mul3A_345 : vector<16xf32>
        %swap3A = arith.index_cast %while3A_108 : i32 to index
        %swap3A_347 = arith.constant 0 : index
        %swap3A_348 = tpu.vector_load %arg7[%swap3A, %swap3A_347] {strides = array<i32>} : memref<32x32xf32, #tpu.memory_space<vmem>>, vector<16xf32>,
        tpu.vector_store %arg7[%swap3A, %swap3A_347], %mul3A_346 {strides = array<i32>} : memref<32x32xf32, #tpu.memory_space<vmem>>, vector<16xf32>,
        %mul3A_349 = arith.constant 5.000000e-02 : f32
        %mul3A_350 = vector.broadcast %mul3A_349 : f32 to vector<16xf32>
        %mul3A_351 = arith.mulf %add3A_343, %mul3A_350 : vector<16xf32>
        %swap3A_352 = arith.index_cast %while3A_108 : i32 to index
        %swap3A_353 = arith.constant 16 : index
        %swap3A_354 = tpu.vector_load %arg7[%swap3A_352, %swap3A_353] {strides = array<i32>} : memref<32x32xf32, #tpu.memory_space<vmem>>, vector<16xf32>,
        tpu.vector_store %arg7[%swap3A_352, %swap3A_353], %mul3A_351 {strides = array<i32>} : memref<32x32xf32, #tpu.memory_space<vmem>>, vector<16xf32>,
      }
      "tpu.region"() ({
        %run_scoped3A = tpu.sem_alloc : memref<!tpu.dma_semaphore, #tpu.memory_space<semaphore_mem>>
        %dma_start3A_108 = arith.constant 0 : i32
        %dma_start3A_109 = tpu.memref_slice %arg4[%add3A_16, %dma_start3A_108] : memref<26624x32xf32, #tpu.memory_space<hbm>> -> memref<32x32xf32, #tpu.memory_space<hbm>>
        %dma_start3A_110 = arith.constant 0 : i32
        %dma_start3A_111 = tpu.memref_slice %arg4[%add3A_16, %dma_start3A_110] : memref<26624x32xf32, #tpu.memory_space<hbm>> -> memref<32x32xf32, #tpu.memory_space<hbm>>
        tpu.enqueue_dma source(%arg7 : memref<32x32xf32, #tpu.memory_space<vmem>>) target(%dma_start3A_111 : memref<32x32xf32, #tpu.memory_space<hbm>>) target_semaphore(%run_scoped3A : memref<!tpu.dma_semaphore, #tpu.memory_space<semaphore_mem>>)
        %dma_wait3A_112 = arith.constant 0 : i32
        %dma_wait3A_113 = tpu.memref_slice %arg4[%add3A_16, %dma_wait3A_112] : memref<26624x32xf32, #tpu.memory_space<hbm>> -> memref<32x32xf32, #tpu.memory_space<hbm>>
        %dma_wait3A_114 = arith.constant 0 : i32
        %dma_wait3A_115 = tpu.memref_slice %arg4[%add3A_16, %dma_wait3A_114] : memref<26624x32xf32, #tpu.memory_space<hbm>> -> memref<32x32xf32, #tpu.memory_space<hbm>>
        tpu.wait_dma2 semaphore(%run_scoped3A : memref<!tpu.dma_semaphore, #tpu.memory_space<semaphore_mem>>) src(%arg7 : memref<32x32xf32, #tpu.memory_space<vmem>>) dst(%dma_wait3A_115 : memref<32x32xf32, #tpu.memory_space<hbm>>)
        tpu.yield
      }) : () -> ()
    }
    %while3A_12 = arith.constant 1 : i32
    scf.for %while3A_13 = %while3A_10 to %while3A_6 step %while3A_12  : i32 {
      %mul3A_14 = arith.constant 32 : i32
      %mul3A_15 = arith.muli %while3A_13, %mul3A_14 : i32
      %add3A_16 = arith.addi %mul3A_2, %mul3A_15 : i32
      %mul3A_17 = arith.constant 20 : i32
      %mul3A_18 = arith.muli %add3A_16, %mul3A_17 : i32
      "tpu.region"() ({
        %run_scoped3A = tpu.sem_alloc : memref<!tpu.dma_semaphore, #tpu.memory_space<semaphore_mem>>
        %dma_start3A_108 = tpu.memref_slice %arg3[%mul3A_18] : memref<532480xi32, #tpu.memory_space<hbm>> -> memref<640xi32, #tpu.memory_space<hbm>>
        %dma_start3A_109 = tpu.memref_slice %arg3[%mul3A_18] : memref<532480xi32, #tpu.memory_space<hbm>> -> memref<640xi32, #tpu.memory_space<hbm>>
        tpu.enqueue_dma source(%dma_start3A_109 : memref<640xi32, #tpu.memory_space<hbm>>) target(%arg5 : memref<640xi32, #tpu.memory_space<vmem>>) target_semaphore(%run_scoped3A : memref<!tpu.dma_semaphore, #tpu.memory_space<semaphore_mem>>)
        %dma_wait3A_110 = tpu.memref_slice %arg3[%mul3A_18] : memref<532480xi32, #tpu.memory_space<hbm>> -> memref<640xi32, #tpu.memory_space<hbm>>
        %dma_wait3A_111 = tpu.memref_slice %arg3[%mul3A_18] : memref<532480xi32, #tpu.memory_space<hbm>> -> memref<640xi32, #tpu.memory_space<hbm>>
        tpu.wait_dma2 semaphore(%run_scoped3A : memref<!tpu.dma_semaphore, #tpu.memory_space<semaphore_mem>>) src(%dma_wait3A_111 : memref<640xi32, #tpu.memory_space<hbm>>) dst(%arg5 : memref<640xi32, #tpu.memory_space<vmem>>)
        tpu.yield
      }) : () -> ()
      %dma_start3A = arith.constant 0 : i32
      %dma_start3A_19 = arith.constant 0 : i32
      %dma_start3A_20 = tpu.memref_slice %arg6[%dma_start3A, %dma_start3A_19] : memref<640x128xf32, #tpu.memory_space<vmem>> -> memref<128x128xf32, #tpu.memory_space<vmem>>
      %dma_start3A_21 = arith.constant 0 : i32
      %dma_start3A_22 = tpu.memref_slice %arg5[%dma_start3A_21] : memref<640xi32, #tpu.memory_space<vmem>> -> memref<128xi32, #tpu.memory_space<vmem>>
      %dma_start3A_23 = arith.constant 0 : i32
      %dma_start3A_24 = arith.constant 0 : i32
      %dma_start3A_25 = tpu.memref_slice %arg2[%dma_start3A_23, %dma_start3A_24] : memref<2600000x128xf32, #tpu.memory_space<hbm>> -> memref<2600000x128xf32, #tpu.memory_space<hbm>>
      tpu.enqueue_indirect_dma source(%dma_start3A_25 : memref<2600000x128xf32, #tpu.memory_space<hbm>>) target(%dma_start3A_20 : memref<128x128xf32, #tpu.memory_space<vmem>>) offsets(%dma_start3A_22 : memref<128xi32, #tpu.memory_space<vmem>>) semaphore(%arg8 : memref<!tpu.dma_semaphore, #tpu.memory_space<semaphore_mem>>)
      %dma_start3A_26 = arith.constant 128 : i32
      %dma_start3A_27 = arith.constant 0 : i32
      %dma_start3A_28 = tpu.memref_slice %arg6[%dma_start3A_26, %dma_start3A_27] : memref<640x128xf32, #tpu.memory_space<vmem>> -> memref<128x128xf32, #tpu.memory_space<vmem>>
      %dma_start3A_29 = arith.constant 128 : i32
      %dma_start3A_30 = tpu.memref_slice %arg5[%dma_start3A_29] : memref<640xi32, #tpu.memory_space<vmem>> -> memref<128xi32, #tpu.memory_space<vmem>>
      %dma_start3A_31 = arith.constant 0 : i32
      %dma_start3A_32 = arith.constant 0 : i32
      %dma_start3A_33 = tpu.memref_slice %arg2[%dma_start3A_31, %dma_start3A_32] : memref<2600000x128xf32, #tpu.memory_space<hbm>> -> memref<2600000x128xf32, #tpu.memory_space<hbm>>
      tpu.enqueue_indirect_dma source(%dma_start3A_33 : memref<2600000x128xf32, #tpu.memory_space<hbm>>) target(%dma_start3A_28 : memref<128x128xf32, #tpu.memory_space<vmem>>) offsets(%dma_start3A_30 : memref<128xi32, #tpu.memory_space<vmem>>) semaphore(%arg8 : memref<!tpu.dma_semaphore, #tpu.memory_space<semaphore_mem>>)
      %dma_start3A_34 = arith.constant 256 : i32
      %dma_start3A_35 = arith.constant 0 : i32
      %dma_start3A_36 = tpu.memref_slice %arg6[%dma_start3A_34, %dma_start3A_35] : memref<640x128xf32, #tpu.memory_space<vmem>> -> memref<128x128xf32, #tpu.memory_space<vmem>>
      %dma_start3A_37 = arith.constant 256 : i32
      %dma_start3A_38 = tpu.memref_slice %arg5[%dma_start3A_37] : memref<640xi32, #tpu.memory_space<vmem>> -> memref<128xi32, #tpu.memory_space<vmem>>
      %dma_start3A_39 = arith.constant 0 : i32
      %dma_start3A_40 = arith.constant 0 : i32
      %dma_start3A_41 = tpu.memref_slice %arg2[%dma_start3A_39, %dma_start3A_40] : memref<2600000x128xf32, #tpu.memory_space<hbm>> -> memref<2600000x128xf32, #tpu.memory_space<hbm>>
      tpu.enqueue_indirect_dma source(%dma_start3A_41 : memref<2600000x128xf32, #tpu.memory_space<hbm>>) target(%dma_start3A_36 : memref<128x128xf32, #tpu.memory_space<vmem>>) offsets(%dma_start3A_38 : memref<128xi32, #tpu.memory_space<vmem>>) semaphore(%arg8 : memref<!tpu.dma_semaphore, #tpu.memory_space<semaphore_mem>>)
      %dma_start3A_42 = arith.constant 384 : i32
      %dma_start3A_43 = arith.constant 0 : i32
      %dma_start3A_44 = tpu.memref_slice %arg6[%dma_start3A_42, %dma_start3A_43] : memref<640x128xf32, #tpu.memory_space<vmem>> -> memref<128x128xf32, #tpu.memory_space<vmem>>
      %dma_start3A_45 = arith.constant 384 : i32
      %dma_start3A_46 = tpu.memref_slice %arg5[%dma_start3A_45] : memref<640xi32, #tpu.memory_space<vmem>> -> memref<128xi32, #tpu.memory_space<vmem>>
      %dma_start3A_47 = arith.constant 0 : i32
      %dma_start3A_48 = arith.constant 0 : i32
      %dma_start3A_49 = tpu.memref_slice %arg2[%dma_start3A_47, %dma_start3A_48] : memref<2600000x128xf32, #tpu.memory_space<hbm>> -> memref<2600000x128xf32, #tpu.memory_space<hbm>>
      tpu.enqueue_indirect_dma source(%dma_start3A_49 : memref<2600000x128xf32, #tpu.memory_space<hbm>>) target(%dma_start3A_44 : memref<128x128xf32, #tpu.memory_space<vmem>>) offsets(%dma_start3A_46 : memref<128xi32, #tpu.memory_space<vmem>>) semaphore(%arg8 : memref<!tpu.dma_semaphore, #tpu.memory_space<semaphore_mem>>)
      %dma_start3A_50 = arith.constant 512 : i32
      %dma_start3A_51 = arith.constant 0 : i32
      %dma_start3A_52 = tpu.memref_slice %arg6[%dma_start3A_50, %dma_start3A_51] : memref<640x128xf32, #tpu.memory_space<vmem>> -> memref<128x128xf32, #tpu.memory_space<vmem>>
      %dma_start3A_53 = arith.constant 512 : i32
      %dma_start3A_54 = tpu.memref_slice %arg5[%dma_start3A_53] : memref<640xi32, #tpu.memory_space<vmem>> -> memref<128xi32, #tpu.memory_space<vmem>>
      %dma_start3A_55 = arith.constant 0 : i32
      %dma_start3A_56 = arith.constant 0 : i32
      %dma_start3A_57 = tpu.memref_slice %arg2[%dma_start3A_55, %dma_start3A_56] : memref<2600000x128xf32, #tpu.memory_space<hbm>> -> memref<2600000x128xf32, #tpu.memory_space<hbm>>
      tpu.enqueue_indirect_dma source(%dma_start3A_57 : memref<2600000x128xf32, #tpu.memory_space<hbm>>) target(%dma_start3A_52 : memref<128x128xf32, #tpu.memory_space<vmem>>) offsets(%dma_start3A_54 : memref<128xi32, #tpu.memory_space<vmem>>) semaphore(%arg8 : memref<!tpu.dma_semaphore, #tpu.memory_space<semaphore_mem>>)
      %dma_wait3A = arith.constant 0 : i32
      %dma_wait3A_58 = arith.constant 0 : i32
      %dma_wait3A_59 = tpu.memref_slice %arg6[%dma_wait3A, %dma_wait3A_58] : memref<640x128xf32, #tpu.memory_space<vmem>> -> memref<128x128xf32, #tpu.memory_space<vmem>>
      %dma_wait3A_60 = arith.constant 0 : i32
      %dma_wait3A_61 = tpu.memref_slice %arg5[%dma_wait3A_60] : memref<640xi32, #tpu.memory_space<vmem>> -> memref<128xi32, #tpu.memory_space<vmem>>
      %dma_wait3A_62 = arith.constant 0 : i32
      %dma_wait3A_63 = arith.constant 0 : i32
      %dma_wait3A_64 = tpu.memref_slice %arg2[%dma_wait3A_62, %dma_wait3A_63] : memref<2600000x128xf32, #tpu.memory_space<hbm>> -> memref<2600000x128xf32, #tpu.memory_space<hbm>>
      tpu.wait_indirect_dma semaphore(%arg8 : memref<!tpu.dma_semaphore, #tpu.memory_space<semaphore_mem>>) src(%dma_wait3A_64 : memref<2600000x128xf32, #tpu.memory_space<hbm>>) dst(%dma_wait3A_59 : memref<128x128xf32, #tpu.memory_space<vmem>>)
      %dma_wait3A_65 = arith.constant 128 : i32
      %dma_wait3A_66 = arith.constant 0 : i32
      %dma_wait3A_67 = tpu.memref_slice %arg6[%dma_wait3A_65, %dma_wait3A_66] : memref<640x128xf32, #tpu.memory_space<vmem>> -> memref<128x128xf32, #tpu.memory_space<vmem>>
      %dma_wait3A_68 = arith.constant 128 : i32
      %dma_wait3A_69 = tpu.memref_slice %arg5[%dma_wait3A_68] : memref<640xi32, #tpu.memory_space<vmem>> -> memref<128xi32, #tpu.memory_space<vmem>>
      %dma_wait3A_70 = arith.constant 0 : i32
      %dma_wait3A_71 = arith.constant 0 : i32
      %dma_wait3A_72 = tpu.memref_slice %arg2[%dma_wait3A_70, %dma_wait3A_71] : memref<2600000x128xf32, #tpu.memory_space<hbm>> -> memref<2600000x128xf32, #tpu.memory_space<hbm>>
      tpu.wait_indirect_dma semaphore(%arg8 : memref<!tpu.dma_semaphore, #tpu.memory_space<semaphore_mem>>) src(%dma_wait3A_72 : memref<2600000x128xf32, #tpu.memory_space<hbm>>) dst(%dma_wait3A_67 : memref<128x128xf32, #tpu.memory_space<vmem>>)
      %dma_wait3A_73 = arith.constant 256 : i32
      %dma_wait3A_74 = arith.constant 0 : i32
      %dma_wait3A_75 = tpu.memref_slice %arg6[%dma_wait3A_73, %dma_wait3A_74] : memref<640x128xf32, #tpu.memory_space<vmem>> -> memref<128x128xf32, #tpu.memory_space<vmem>>
      %dma_wait3A_76 = arith.constant 256 : i32
      %dma_wait3A_77 = tpu.memref_slice %arg5[%dma_wait3A_76] : memref<640xi32, #tpu.memory_space<vmem>> -> memref<128xi32, #tpu.memory_space<vmem>>
      %dma_wait3A_78 = arith.constant 0 : i32
      %dma_wait3A_79 = arith.constant 0 : i32
      %dma_wait3A_80 = tpu.memref_slice %arg2[%dma_wait3A_78, %dma_wait3A_79] : memref<2600000x128xf32, #tpu.memory_space<hbm>> -> memref<2600000x128xf32, #tpu.memory_space<hbm>>
      tpu.wait_indirect_dma semaphore(%arg8 : memref<!tpu.dma_semaphore, #tpu.memory_space<semaphore_mem>>) src(%dma_wait3A_80 : memref<2600000x128xf32, #tpu.memory_space<hbm>>) dst(%dma_wait3A_75 : memref<128x128xf32, #tpu.memory_space<vmem>>)
      %dma_wait3A_81 = arith.constant 384 : i32
      %dma_wait3A_82 = arith.constant 0 : i32
      %dma_wait3A_83 = tpu.memref_slice %arg6[%dma_wait3A_81, %dma_wait3A_82] : memref<640x128xf32, #tpu.memory_space<vmem>> -> memref<128x128xf32, #tpu.memory_space<vmem>>
      %dma_wait3A_84 = arith.constant 384 : i32
      %dma_wait3A_85 = tpu.memref_slice %arg5[%dma_wait3A_84] : memref<640xi32, #tpu.memory_space<vmem>> -> memref<128xi32, #tpu.memory_space<vmem>>
      %dma_wait3A_86 = arith.constant 0 : i32
      %dma_wait3A_87 = arith.constant 0 : i32
      %dma_wait3A_88 = tpu.memref_slice %arg2[%dma_wait3A_86, %dma_wait3A_87] : memref<2600000x128xf32, #tpu.memory_space<hbm>> -> memref<2600000x128xf32, #tpu.memory_space<hbm>>
      tpu.wait_indirect_dma semaphore(%arg8 : memref<!tpu.dma_semaphore, #tpu.memory_space<semaphore_mem>>) src(%dma_wait3A_88 : memref<2600000x128xf32, #tpu.memory_space<hbm>>) dst(%dma_wait3A_83 : memref<128x128xf32, #tpu.memory_space<vmem>>)
      %dma_wait3A_89 = arith.constant 512 : i32
      %dma_wait3A_90 = arith.constant 0 : i32
      %dma_wait3A_91 = tpu.memref_slice %arg6[%dma_wait3A_89, %dma_wait3A_90] : memref<640x128xf32, #tpu.memory_space<vmem>> -> memref<128x128xf32, #tpu.memory_space<vmem>>
      %dma_wait3A_92 = arith.constant 512 : i32
      %dma_wait3A_93 = tpu.memref_slice %arg5[%dma_wait3A_92] : memref<640xi32, #tpu.memory_space<vmem>> -> memref<128xi32, #tpu.memory_space<vmem>>
      %dma_wait3A_94 = arith.constant 0 : i32
      %dma_wait3A_95 = arith.constant 0 : i32
      %dma_wait3A_96 = tpu.memref_slice %arg2[%dma_wait3A_94, %dma_wait3A_95] : memref<2600000x128xf32, #tpu.memory_space<hbm>> -> memref<2600000x128xf32, #tpu.memory_space<hbm>>
      tpu.wait_indirect_dma semaphore(%arg8 : memref<!tpu.dma_semaphore, #tpu.memory_space<semaphore_mem>>) src(%dma_wait3A_96 : memref<2600000x128xf32, #tpu.memory_space<hbm>>) dst(%dma_wait3A_91 : memref<128x128xf32, #tpu.memory_space<vmem>>)
      %while3A_97 = arith.constant 0 : i32
      %while3A_98 = arith.constant 0 : i32
      %while3A_99 = arith.constant 32 : i32
      %while3A_100 = arith.subi %while3A_99, %while3A_98 : i32
      %while3A_101 = arith.addi %while3A_98, %while3A_100 : i32
      %while3A_102 = arith.constant 1 : i32
      %while3A_103 = arith.divsi %while3A_100, %while3A_102 : i32
      %while3A_104 = arith.muli %while3A_103, %while3A_102 : i32
      %while3A_105 = arith.addi %while3A_98, %while3A_104 : i32
      %while3A_106 = arith.constant 1 : i32
      scf.for %while3A_108 = %while3A_98 to %while3A_105 step %while3A_106  : i32 {
        %mul3A_109 = arith.constant 20 : i32
        %mul3A_110 = arith.muli %while3A_108, %mul3A_109 : i32
        %get3A = arith.index_cast %mul3A_110 : i32 to index
        %get3A_111 = arith.constant 0 : index
        %get3A_112 = tpu.vector_load %arg6[%get3A, %get3A_111] {strides = array<i32>} : memref<640x128xf32, #tpu.memory_space<vmem>>, vector<16xf32>,
        %get3A_113 = arith.index_cast %mul3A_110 : i32 to index
        %get3A_114 = arith.constant 16 : index
        %get3A_115 = tpu.vector_load %arg6[%get3A_113, %get3A_114] {strides = array<i32>} : memref<640x128xf32, #tpu.memory_space<vmem>>, vector<16xf32>,
        %add3A_116 = arith.constant 1 : i32
        %add3A_117 = arith.addi %mul3A_110, %add3A_116 : i32
        %get3A_118 = arith.index_cast %add3A_117 : i32 to index
        %get3A_119 = arith.constant 0 : index
        %get3A_120 = tpu.vector_load %arg6[%get3A_118, %get3A_119] {strides = array<i32>} : memref<640x128xf32, #tpu.memory_space<vmem>>, vector<16xf32>,
        %add3A_121 = arith.addf %get3A_112, %get3A_120 : vector<16xf32>
        %add3A_122 = arith.constant 1 : i32
        %add3A_123 = arith.addi %mul3A_110, %add3A_122 : i32
        %get3A_124 = arith.index_cast %add3A_123 : i32 to index
        %get3A_125 = arith.constant 16 : index
        %get3A_126 = tpu.vector_load %arg6[%get3A_124, %get3A_125] {strides = array<i32>} : memref<640x128xf32, #tpu.memory_space<vmem>>, vector<16xf32>,
        %add3A_127 = arith.addf %get3A_115, %get3A_126 : vector<16xf32>
        %add3A_128 = arith.constant 2 : i32
        %add3A_129 = arith.addi %mul3A_110, %add3A_128 : i32
        %get3A_130 = arith.index_cast %add3A_129 : i32 to index
        %get3A_131 = arith.constant 0 : index
        %get3A_132 = tpu.vector_load %arg6[%get3A_130, %get3A_131] {strides = array<i32>} : memref<640x128xf32, #tpu.memory_space<vmem>>, vector<16xf32>,
        %add3A_133 = arith.addf %add3A_121, %get3A_132 : vector<16xf32>
        %add3A_134 = arith.constant 2 : i32
        %add3A_135 = arith.addi %mul3A_110, %add3A_134 : i32
        %get3A_136 = arith.index_cast %add3A_135 : i32 to index
        %get3A_137 = arith.constant 16 : index
        %get3A_138 = tpu.vector_load %arg6[%get3A_136, %get3A_137] {strides = array<i32>} : memref<640x128xf32, #tpu.memory_space<vmem>>, vector<16xf32>,
        %add3A_139 = arith.addf %add3A_127, %get3A_138 : vector<16xf32>
        %add3A_140 = arith.constant 3 : i32
        %add3A_141 = arith.addi %mul3A_110, %add3A_140 : i32
        %get3A_142 = arith.index_cast %add3A_141 : i32 to index
        %get3A_143 = arith.constant 0 : index
        %get3A_144 = tpu.vector_load %arg6[%get3A_142, %get3A_143] {strides = array<i32>} : memref<640x128xf32, #tpu.memory_space<vmem>>, vector<16xf32>,
        %add3A_145 = arith.addf %add3A_133, %get3A_144 : vector<16xf32>
        %add3A_146 = arith.constant 3 : i32
        %add3A_147 = arith.addi %mul3A_110, %add3A_146 : i32
        %get3A_148 = arith.index_cast %add3A_147 : i32 to index
        %get3A_149 = arith.constant 16 : index
        %get3A_150 = tpu.vector_load %arg6[%get3A_148, %get3A_149] {strides = array<i32>} : memref<640x128xf32, #tpu.memory_space<vmem>>, vector<16xf32>,
        %add3A_151 = arith.addf %add3A_139, %get3A_150 : vector<16xf32>
        %add3A_152 = arith.constant 4 : i32
        %add3A_153 = arith.addi %mul3A_110, %add3A_152 : i32
        %get3A_154 = arith.index_cast %add3A_153 : i32 to index
        %get3A_155 = arith.constant 0 : index
        %get3A_156 = tpu.vector_load %arg6[%get3A_154, %get3A_155] {strides = array<i32>} : memref<640x128xf32, #tpu.memory_space<vmem>>, vector<16xf32>,
        %add3A_157 = arith.addf %add3A_145, %get3A_156 : vector<16xf32>
        %add3A_158 = arith.constant 4 : i32
        %add3A_159 = arith.addi %mul3A_110, %add3A_158 : i32
        %get3A_160 = arith.index_cast %add3A_159 : i32 to index
        %get3A_161 = arith.constant 16 : index
        %get3A_162 = tpu.vector_load %arg6[%get3A_160, %get3A_161] {strides = array<i32>} : memref<640x128xf32, #tpu.memory_space<vmem>>, vector<16xf32>,
        %add3A_163 = arith.addf %add3A_151, %get3A_162 : vector<16xf32>
        %add3A_164 = arith.constant 5 : i32
        %add3A_165 = arith.addi %mul3A_110, %add3A_164 : i32
        %get3A_166 = arith.index_cast %add3A_165 : i32 to index
        %get3A_167 = arith.constant 0 : index
        %get3A_168 = tpu.vector_load %arg6[%get3A_166, %get3A_167] {strides = array<i32>} : memref<640x128xf32, #tpu.memory_space<vmem>>, vector<16xf32>,
        %add3A_169 = arith.addf %add3A_157, %get3A_168 : vector<16xf32>
        %add3A_170 = arith.constant 5 : i32
        %add3A_171 = arith.addi %mul3A_110, %add3A_170 : i32
        %get3A_172 = arith.index_cast %add3A_171 : i32 to index
        %get3A_173 = arith.constant 16 : index
        %get3A_174 = tpu.vector_load %arg6[%get3A_172, %get3A_173] {strides = array<i32>} : memref<640x128xf32, #tpu.memory_space<vmem>>, vector<16xf32>,
        %add3A_175 = arith.addf %add3A_163, %get3A_174 : vector<16xf32>
        %add3A_176 = arith.constant 6 : i32
        %add3A_177 = arith.addi %mul3A_110, %add3A_176 : i32
        %get3A_178 = arith.index_cast %add3A_177 : i32 to index
        %get3A_179 = arith.constant 0 : index
        %get3A_180 = tpu.vector_load %arg6[%get3A_178, %get3A_179] {strides = array<i32>} : memref<640x128xf32, #tpu.memory_space<vmem>>, vector<16xf32>,
        %add3A_181 = arith.addf %add3A_169, %get3A_180 : vector<16xf32>
        %add3A_182 = arith.constant 6 : i32
        %add3A_183 = arith.addi %mul3A_110, %add3A_182 : i32
        %get3A_184 = arith.index_cast %add3A_183 : i32 to index
        %get3A_185 = arith.constant 16 : index
        %get3A_186 = tpu.vector_load %arg6[%get3A_184, %get3A_185] {strides = array<i32>} : memref<640x128xf32, #tpu.memory_space<vmem>>, vector<16xf32>,
        %add3A_187 = arith.addf %add3A_175, %get3A_186 : vector<16xf32>
        %add3A_188 = arith.constant 7 : i32
        %add3A_189 = arith.addi %mul3A_110, %add3A_188 : i32
        %get3A_190 = arith.index_cast %add3A_189 : i32 to index
        %get3A_191 = arith.constant 0 : index
        %get3A_192 = tpu.vector_load %arg6[%get3A_190, %get3A_191] {strides = array<i32>} : memref<640x128xf32, #tpu.memory_space<vmem>>, vector<16xf32>,
        %add3A_193 = arith.addf %add3A_181, %get3A_192 : vector<16xf32>
        %add3A_194 = arith.constant 7 : i32
        %add3A_195 = arith.addi %mul3A_110, %add3A_194 : i32
        %get3A_196 = arith.index_cast %add3A_195 : i32 to index
        %get3A_197 = arith.constant 16 : index
        %get3A_198 = tpu.vector_load %arg6[%get3A_196, %get3A_197] {strides = array<i32>} : memref<640x128xf32, #tpu.memory_space<vmem>>, vector<16xf32>,
        %add3A_199 = arith.addf %add3A_187, %get3A_198 : vector<16xf32>
        %add3A_200 = arith.constant 8 : i32
        %add3A_201 = arith.addi %mul3A_110, %add3A_200 : i32
        %get3A_202 = arith.index_cast %add3A_201 : i32 to index
        %get3A_203 = arith.constant 0 : index
        %get3A_204 = tpu.vector_load %arg6[%get3A_202, %get3A_203] {strides = array<i32>} : memref<640x128xf32, #tpu.memory_space<vmem>>, vector<16xf32>,
        %add3A_205 = arith.addf %add3A_193, %get3A_204 : vector<16xf32>
        %add3A_206 = arith.constant 8 : i32
        %add3A_207 = arith.addi %mul3A_110, %add3A_206 : i32
        %get3A_208 = arith.index_cast %add3A_207 : i32 to index
        %get3A_209 = arith.constant 16 : index
        %get3A_210 = tpu.vector_load %arg6[%get3A_208, %get3A_209] {strides = array<i32>} : memref<640x128xf32, #tpu.memory_space<vmem>>, vector<16xf32>,
        %add3A_211 = arith.addf %add3A_199, %get3A_210 : vector<16xf32>
        %add3A_212 = arith.constant 9 : i32
        %add3A_213 = arith.addi %mul3A_110, %add3A_212 : i32
        %get3A_214 = arith.index_cast %add3A_213 : i32 to index
        %get3A_215 = arith.constant 0 : index
        %get3A_216 = tpu.vector_load %arg6[%get3A_214, %get3A_215] {strides = array<i32>} : memref<640x128xf32, #tpu.memory_space<vmem>>, vector<16xf32>,
        %add3A_217 = arith.addf %add3A_205, %get3A_216 : vector<16xf32>
        %add3A_218 = arith.constant 9 : i32
        %add3A_219 = arith.addi %mul3A_110, %add3A_218 : i32
        %get3A_220 = arith.index_cast %add3A_219 : i32 to index
        %get3A_221 = arith.constant 16 : index
        %get3A_222 = tpu.vector_load %arg6[%get3A_220, %get3A_221] {strides = array<i32>} : memref<640x128xf32, #tpu.memory_space<vmem>>, vector<16xf32>,
        %add3A_223 = arith.addf %add3A_211, %get3A_222 : vector<16xf32>
        %add3A_224 = arith.constant 10 : i32
        %add3A_225 = arith.addi %mul3A_110, %add3A_224 : i32
        %get3A_226 = arith.index_cast %add3A_225 : i32 to index
        %get3A_227 = arith.constant 0 : index
        %get3A_228 = tpu.vector_load %arg6[%get3A_226, %get3A_227] {strides = array<i32>} : memref<640x128xf32, #tpu.memory_space<vmem>>, vector<16xf32>,
        %add3A_229 = arith.addf %add3A_217, %get3A_228 : vector<16xf32>
        %add3A_230 = arith.constant 10 : i32
        %add3A_231 = arith.addi %mul3A_110, %add3A_230 : i32
        %get3A_232 = arith.index_cast %add3A_231 : i32 to index
        %get3A_233 = arith.constant 16 : index
        %get3A_234 = tpu.vector_load %arg6[%get3A_232, %get3A_233] {strides = array<i32>} : memref<640x128xf32, #tpu.memory_space<vmem>>, vector<16xf32>,
        %add3A_235 = arith.addf %add3A_223, %get3A_234 : vector<16xf32>
        %add3A_236 = arith.constant 11 : i32
        %add3A_237 = arith.addi %mul3A_110, %add3A_236 : i32
        %get3A_238 = arith.index_cast %add3A_237 : i32 to index
        %get3A_239 = arith.constant 0 : index
        %get3A_240 = tpu.vector_load %arg6[%get3A_238, %get3A_239] {strides = array<i32>} : memref<640x128xf32, #tpu.memory_space<vmem>>, vector<16xf32>,
        %add3A_241 = arith.addf %add3A_229, %get3A_240 : vector<16xf32>
        %add3A_242 = arith.constant 11 : i32
        %add3A_243 = arith.addi %mul3A_110, %add3A_242 : i32
        %get3A_244 = arith.index_cast %add3A_243 : i32 to index
        %get3A_245 = arith.constant 16 : index
        %get3A_246 = tpu.vector_load %arg6[%get3A_244, %get3A_245] {strides = array<i32>} : memref<640x128xf32, #tpu.memory_space<vmem>>, vector<16xf32>,
        %add3A_247 = arith.addf %add3A_235, %get3A_246 : vector<16xf32>
        %add3A_248 = arith.constant 12 : i32
        %add3A_249 = arith.addi %mul3A_110, %add3A_248 : i32
        %get3A_250 = arith.index_cast %add3A_249 : i32 to index
        %get3A_251 = arith.constant 0 : index
        %get3A_252 = tpu.vector_load %arg6[%get3A_250, %get3A_251] {strides = array<i32>} : memref<640x128xf32, #tpu.memory_space<vmem>>, vector<16xf32>,
        %add3A_253 = arith.addf %add3A_241, %get3A_252 : vector<16xf32>
        %add3A_254 = arith.constant 12 : i32
        %add3A_255 = arith.addi %mul3A_110, %add3A_254 : i32
        %get3A_256 = arith.index_cast %add3A_255 : i32 to index
        %get3A_257 = arith.constant 16 : index
        %get3A_258 = tpu.vector_load %arg6[%get3A_256, %get3A_257] {strides = array<i32>} : memref<640x128xf32, #tpu.memory_space<vmem>>, vector<16xf32>,
        %add3A_259 = arith.addf %add3A_247, %get3A_258 : vector<16xf32>
        %add3A_260 = arith.constant 13 : i32
        %add3A_261 = arith.addi %mul3A_110, %add3A_260 : i32
        %get3A_262 = arith.index_cast %add3A_261 : i32 to index
        %get3A_263 = arith.constant 0 : index
        %get3A_264 = tpu.vector_load %arg6[%get3A_262, %get3A_263] {strides = array<i32>} : memref<640x128xf32, #tpu.memory_space<vmem>>, vector<16xf32>,
        %add3A_265 = arith.addf %add3A_253, %get3A_264 : vector<16xf32>
        %add3A_266 = arith.constant 13 : i32
        %add3A_267 = arith.addi %mul3A_110, %add3A_266 : i32
        %get3A_268 = arith.index_cast %add3A_267 : i32 to index
        %get3A_269 = arith.constant 16 : index
        %get3A_270 = tpu.vector_load %arg6[%get3A_268, %get3A_269] {strides = array<i32>} : memref<640x128xf32, #tpu.memory_space<vmem>>, vector<16xf32>,
        %add3A_271 = arith.addf %add3A_259, %get3A_270 : vector<16xf32>
        %add3A_272 = arith.constant 14 : i32
        %add3A_273 = arith.addi %mul3A_110, %add3A_272 : i32
        %get3A_274 = arith.index_cast %add3A_273 : i32 to index
        %get3A_275 = arith.constant 0 : index
        %get3A_276 = tpu.vector_load %arg6[%get3A_274, %get3A_275] {strides = array<i32>} : memref<640x128xf32, #tpu.memory_space<vmem>>, vector<16xf32>,
        %add3A_277 = arith.addf %add3A_265, %get3A_276 : vector<16xf32>
        %add3A_278 = arith.constant 14 : i32
        %add3A_279 = arith.addi %mul3A_110, %add3A_278 : i32
        %get3A_280 = arith.index_cast %add3A_279 : i32 to index
        %get3A_281 = arith.constant 16 : index
        %get3A_282 = tpu.vector_load %arg6[%get3A_280, %get3A_281] {strides = array<i32>} : memref<640x128xf32, #tpu.memory_space<vmem>>, vector<16xf32>,
        %add3A_283 = arith.addf %add3A_271, %get3A_282 : vector<16xf32>
        %add3A_284 = arith.constant 15 : i32
        %add3A_285 = arith.addi %mul3A_110, %add3A_284 : i32
        %get3A_286 = arith.index_cast %add3A_285 : i32 to index
        %get3A_287 = arith.constant 0 : index
        %get3A_288 = tpu.vector_load %arg6[%get3A_286, %get3A_287] {strides = array<i32>} : memref<640x128xf32, #tpu.memory_space<vmem>>, vector<16xf32>,
        %add3A_289 = arith.addf %add3A_277, %get3A_288 : vector<16xf32>
        %add3A_290 = arith.constant 15 : i32
        %add3A_291 = arith.addi %mul3A_110, %add3A_290 : i32
        %get3A_292 = arith.index_cast %add3A_291 : i32 to index
        %get3A_293 = arith.constant 16 : index
        %get3A_294 = tpu.vector_load %arg6[%get3A_292, %get3A_293] {strides = array<i32>} : memref<640x128xf32, #tpu.memory_space<vmem>>, vector<16xf32>,
        %add3A_295 = arith.addf %add3A_283, %get3A_294 : vector<16xf32>
        %add3A_296 = arith.constant 16 : i32
        %add3A_297 = arith.addi %mul3A_110, %add3A_296 : i32
        %get3A_298 = arith.index_cast %add3A_297 : i32 to index
        %get3A_299 = arith.constant 0 : index
        %get3A_300 = tpu.vector_load %arg6[%get3A_298, %get3A_299] {strides = array<i32>} : memref<640x128xf32, #tpu.memory_space<vmem>>, vector<16xf32>,
        %add3A_301 = arith.addf %add3A_289, %get3A_300 : vector<16xf32>
        %add3A_302 = arith.constant 16 : i32
        %add3A_303 = arith.addi %mul3A_110, %add3A_302 : i32
        %get3A_304 = arith.index_cast %add3A_303 : i32 to index
        %get3A_305 = arith.constant 16 : index
        %get3A_306 = tpu.vector_load %arg6[%get3A_304, %get3A_305] {strides = array<i32>} : memref<640x128xf32, #tpu.memory_space<vmem>>, vector<16xf32>,
        %add3A_307 = arith.addf %add3A_295, %get3A_306 : vector<16xf32>
        %add3A_308 = arith.constant 17 : i32
        %add3A_309 = arith.addi %mul3A_110, %add3A_308 : i32
        %get3A_310 = arith.index_cast %add3A_309 : i32 to index
        %get3A_311 = arith.constant 0 : index
        %get3A_312 = tpu.vector_load %arg6[%get3A_310, %get3A_311] {strides = array<i32>} : memref<640x128xf32, #tpu.memory_space<vmem>>, vector<16xf32>,
        %add3A_313 = arith.addf %add3A_301, %get3A_312 : vector<16xf32>
        %add3A_314 = arith.constant 17 : i32
        %add3A_315 = arith.addi %mul3A_110, %add3A_314 : i32
        %get3A_316 = arith.index_cast %add3A_315 : i32 to index
        %get3A_317 = arith.constant 16 : index
        %get3A_318 = tpu.vector_load %arg6[%get3A_316, %get3A_317] {strides = array<i32>} : memref<640x128xf32, #tpu.memory_space<vmem>>, vector<16xf32>,
        %add3A_319 = arith.addf %add3A_307, %get3A_318 : vector<16xf32>
        %add3A_320 = arith.constant 18 : i32
        %add3A_321 = arith.addi %mul3A_110, %add3A_320 : i32
        %get3A_322 = arith.index_cast %add3A_321 : i32 to index
        %get3A_323 = arith.constant 0 : index
        %get3A_324 = tpu.vector_load %arg6[%get3A_322, %get3A_323] {strides = array<i32>} : memref<640x128xf32, #tpu.memory_space<vmem>>, vector<16xf32>,
        %add3A_325 = arith.addf %add3A_313, %get3A_324 : vector<16xf32>
        %add3A_326 = arith.constant 18 : i32
        %add3A_327 = arith.addi %mul3A_110, %add3A_326 : i32
        %get3A_328 = arith.index_cast %add3A_327 : i32 to index
        %get3A_329 = arith.constant 16 : index
        %get3A_330 = tpu.vector_load %arg6[%get3A_328, %get3A_329] {strides = array<i32>} : memref<640x128xf32, #tpu.memory_space<vmem>>, vector<16xf32>,
        %add3A_331 = arith.addf %add3A_319, %get3A_330 : vector<16xf32>
        %add3A_332 = arith.constant 19 : i32
        %add3A_333 = arith.addi %mul3A_110, %add3A_332 : i32
        %get3A_334 = arith.index_cast %add3A_333 : i32 to index
        %get3A_335 = arith.constant 0 : index
        %get3A_336 = tpu.vector_load %arg6[%get3A_334, %get3A_335] {strides = array<i32>} : memref<640x128xf32, #tpu.memory_space<vmem>>, vector<16xf32>,
        %add3A_337 = arith.addf %add3A_325, %get3A_336 : vector<16xf32>
        %add3A_338 = arith.constant 19 : i32
        %add3A_339 = arith.addi %mul3A_110, %add3A_338 : i32
        %get3A_340 = arith.index_cast %add3A_339 : i32 to index
        %get3A_341 = arith.constant 16 : index
        %get3A_342 = tpu.vector_load %arg6[%get3A_340, %get3A_341] {strides = array<i32>} : memref<640x128xf32, #tpu.memory_space<vmem>>, vector<16xf32>,
        %add3A_343 = arith.addf %add3A_331, %get3A_342 : vector<16xf32>
        %mul3A_344 = arith.constant 5.000000e-02 : f32
        %mul3A_345 = vector.broadcast %mul3A_344 : f32 to vector<16xf32>
        %mul3A_346 = arith.mulf %add3A_337, %mul3A_345 : vector<16xf32>
        %swap3A = arith.index_cast %while3A_108 : i32 to index
        %swap3A_347 = arith.constant 0 : index
        %swap3A_348 = tpu.vector_load %arg7[%swap3A, %swap3A_347] {strides = array<i32>} : memref<32x32xf32, #tpu.memory_space<vmem>>, vector<16xf32>,
        tpu.vector_store %arg7[%swap3A, %swap3A_347], %mul3A_346 {strides = array<i32>} : memref<32x32xf32, #tpu.memory_space<vmem>>, vector<16xf32>,
        %mul3A_349 = arith.constant 5.000000e-02 : f32
        %mul3A_350 = vector.broadcast %mul3A_349 : f32 to vector<16xf32>
        %mul3A_351 = arith.mulf %add3A_343, %mul3A_350 : vector<16xf32>
        %swap3A_352 = arith.index_cast %while3A_108 : i32 to index
        %swap3A_353 = arith.constant 16 : index
        %swap3A_354 = tpu.vector_load %arg7[%swap3A_352, %swap3A_353] {strides = array<i32>} : memref<32x32xf32, #tpu.memory_space<vmem>>, vector<16xf32>,
        tpu.vector_store %arg7[%swap3A_352, %swap3A_353], %mul3A_351 {strides = array<i32>} : memref<32x32xf32, #tpu.memory_space<vmem>>, vector<16xf32>,
      }
      %while3A_107 = arith.constant 1 : i32
      scf.for %while3A_108 = %while3A_105 to %while3A_101 step %while3A_107  : i32 {
        %mul3A_109 = arith.constant 20 : i32
        %mul3A_110 = arith.muli %while3A_108, %mul3A_109 : i32
        %get3A = arith.index_cast %mul3A_110 : i32 to index
        %get3A_111 = arith.constant 0 : index
        %get3A_112 = tpu.vector_load %arg6[%get3A, %get3A_111] {strides = array<i32>} : memref<640x128xf32, #tpu.memory_space<vmem>>, vector<16xf32>,
        %get3A_113 = arith.index_cast %mul3A_110 : i32 to index
        %get3A_114 = arith.constant 16 : index
        %get3A_115 = tpu.vector_load %arg6[%get3A_113, %get3A_114] {strides = array<i32>} : memref<640x128xf32, #tpu.memory_space<vmem>>, vector<16xf32>,
        %add3A_116 = arith.constant 1 : i32
        %add3A_117 = arith.addi %mul3A_110, %add3A_116 : i32
        %get3A_118 = arith.index_cast %add3A_117 : i32 to index
        %get3A_119 = arith.constant 0 : index
        %get3A_120 = tpu.vector_load %arg6[%get3A_118, %get3A_119] {strides = array<i32>} : memref<640x128xf32, #tpu.memory_space<vmem>>, vector<16xf32>,
        %add3A_121 = arith.addf %get3A_112, %get3A_120 : vector<16xf32>
        %add3A_122 = arith.constant 1 : i32
        %add3A_123 = arith.addi %mul3A_110, %add3A_122 : i32
        %get3A_124 = arith.index_cast %add3A_123 : i32 to index
        %get3A_125 = arith.constant 16 : index
        %get3A_126 = tpu.vector_load %arg6[%get3A_124, %get3A_125] {strides = array<i32>} : memref<640x128xf32, #tpu.memory_space<vmem>>, vector<16xf32>,
        %add3A_127 = arith.addf %get3A_115, %get3A_126 : vector<16xf32>
        %add3A_128 = arith.constant 2 : i32
        %add3A_129 = arith.addi %mul3A_110, %add3A_128 : i32
        %get3A_130 = arith.index_cast %add3A_129 : i32 to index
        %get3A_131 = arith.constant 0 : index
        %get3A_132 = tpu.vector_load %arg6[%get3A_130, %get3A_131] {strides = array<i32>} : memref<640x128xf32, #tpu.memory_space<vmem>>, vector<16xf32>,
        %add3A_133 = arith.addf %add3A_121, %get3A_132 : vector<16xf32>
        %add3A_134 = arith.constant 2 : i32
        %add3A_135 = arith.addi %mul3A_110, %add3A_134 : i32
        %get3A_136 = arith.index_cast %add3A_135 : i32 to index
        %get3A_137 = arith.constant 16 : index
        %get3A_138 = tpu.vector_load %arg6[%get3A_136, %get3A_137] {strides = array<i32>} : memref<640x128xf32, #tpu.memory_space<vmem>>, vector<16xf32>,
        %add3A_139 = arith.addf %add3A_127, %get3A_138 : vector<16xf32>
        %add3A_140 = arith.constant 3 : i32
        %add3A_141 = arith.addi %mul3A_110, %add3A_140 : i32
        %get3A_142 = arith.index_cast %add3A_141 : i32 to index
        %get3A_143 = arith.constant 0 : index
        %get3A_144 = tpu.vector_load %arg6[%get3A_142, %get3A_143] {strides = array<i32>} : memref<640x128xf32, #tpu.memory_space<vmem>>, vector<16xf32>,
        %add3A_145 = arith.addf %add3A_133, %get3A_144 : vector<16xf32>
        %add3A_146 = arith.constant 3 : i32
        %add3A_147 = arith.addi %mul3A_110, %add3A_146 : i32
        %get3A_148 = arith.index_cast %add3A_147 : i32 to index
        %get3A_149 = arith.constant 16 : index
        %get3A_150 = tpu.vector_load %arg6[%get3A_148, %get3A_149] {strides = array<i32>} : memref<640x128xf32, #tpu.memory_space<vmem>>, vector<16xf32>,
        %add3A_151 = arith.addf %add3A_139, %get3A_150 : vector<16xf32>
        %add3A_152 = arith.constant 4 : i32
        %add3A_153 = arith.addi %mul3A_110, %add3A_152 : i32
        %get3A_154 = arith.index_cast %add3A_153 : i32 to index
        %get3A_155 = arith.constant 0 : index
        %get3A_156 = tpu.vector_load %arg6[%get3A_154, %get3A_155] {strides = array<i32>} : memref<640x128xf32, #tpu.memory_space<vmem>>, vector<16xf32>,
        %add3A_157 = arith.addf %add3A_145, %get3A_156 : vector<16xf32>
        %add3A_158 = arith.constant 4 : i32
        %add3A_159 = arith.addi %mul3A_110, %add3A_158 : i32
        %get3A_160 = arith.index_cast %add3A_159 : i32 to index
        %get3A_161 = arith.constant 16 : index
        %get3A_162 = tpu.vector_load %arg6[%get3A_160, %get3A_161] {strides = array<i32>} : memref<640x128xf32, #tpu.memory_space<vmem>>, vector<16xf32>,
        %add3A_163 = arith.addf %add3A_151, %get3A_162 : vector<16xf32>
        %add3A_164 = arith.constant 5 : i32
        %add3A_165 = arith.addi %mul3A_110, %add3A_164 : i32
        %get3A_166 = arith.index_cast %add3A_165 : i32 to index
        %get3A_167 = arith.constant 0 : index
        %get3A_168 = tpu.vector_load %arg6[%get3A_166, %get3A_167] {strides = array<i32>} : memref<640x128xf32, #tpu.memory_space<vmem>>, vector<16xf32>,
        %add3A_169 = arith.addf %add3A_157, %get3A_168 : vector<16xf32>
        %add3A_170 = arith.constant 5 : i32
        %add3A_171 = arith.addi %mul3A_110, %add3A_170 : i32
        %get3A_172 = arith.index_cast %add3A_171 : i32 to index
        %get3A_173 = arith.constant 16 : index
        %get3A_174 = tpu.vector_load %arg6[%get3A_172, %get3A_173] {strides = array<i32>} : memref<640x128xf32, #tpu.memory_space<vmem>>, vector<16xf32>,
        %add3A_175 = arith.addf %add3A_163, %get3A_174 : vector<16xf32>
        %add3A_176 = arith.constant 6 : i32
        %add3A_177 = arith.addi %mul3A_110, %add3A_176 : i32
        %get3A_178 = arith.index_cast %add3A_177 : i32 to index
        %get3A_179 = arith.constant 0 : index
        %get3A_180 = tpu.vector_load %arg6[%get3A_178, %get3A_179] {strides = array<i32>} : memref<640x128xf32, #tpu.memory_space<vmem>>, vector<16xf32>,
        %add3A_181 = arith.addf %add3A_169, %get3A_180 : vector<16xf32>
        %add3A_182 = arith.constant 6 : i32
        %add3A_183 = arith.addi %mul3A_110, %add3A_182 : i32
        %get3A_184 = arith.index_cast %add3A_183 : i32 to index
        %get3A_185 = arith.constant 16 : index
        %get3A_186 = tpu.vector_load %arg6[%get3A_184, %get3A_185] {strides = array<i32>} : memref<640x128xf32, #tpu.memory_space<vmem>>, vector<16xf32>,
        %add3A_187 = arith.addf %add3A_175, %get3A_186 : vector<16xf32>
        %add3A_188 = arith.constant 7 : i32
        %add3A_189 = arith.addi %mul3A_110, %add3A_188 : i32
        %get3A_190 = arith.index_cast %add3A_189 : i32 to index
        %get3A_191 = arith.constant 0 : index
        %get3A_192 = tpu.vector_load %arg6[%get3A_190, %get3A_191] {strides = array<i32>} : memref<640x128xf32, #tpu.memory_space<vmem>>, vector<16xf32>,
        %add3A_193 = arith.addf %add3A_181, %get3A_192 : vector<16xf32>
        %add3A_194 = arith.constant 7 : i32
        %add3A_195 = arith.addi %mul3A_110, %add3A_194 : i32
        %get3A_196 = arith.index_cast %add3A_195 : i32 to index
        %get3A_197 = arith.constant 16 : index
        %get3A_198 = tpu.vector_load %arg6[%get3A_196, %get3A_197] {strides = array<i32>} : memref<640x128xf32, #tpu.memory_space<vmem>>, vector<16xf32>,
        %add3A_199 = arith.addf %add3A_187, %get3A_198 : vector<16xf32>
        %add3A_200 = arith.constant 8 : i32
        %add3A_201 = arith.addi %mul3A_110, %add3A_200 : i32
        %get3A_202 = arith.index_cast %add3A_201 : i32 to index
        %get3A_203 = arith.constant 0 : index
        %get3A_204 = tpu.vector_load %arg6[%get3A_202, %get3A_203] {strides = array<i32>} : memref<640x128xf32, #tpu.memory_space<vmem>>, vector<16xf32>,
        %add3A_205 = arith.addf %add3A_193, %get3A_204 : vector<16xf32>
        %add3A_206 = arith.constant 8 : i32
        %add3A_207 = arith.addi %mul3A_110, %add3A_206 : i32
        %get3A_208 = arith.index_cast %add3A_207 : i32 to index
        %get3A_209 = arith.constant 16 : index
        %get3A_210 = tpu.vector_load %arg6[%get3A_208, %get3A_209] {strides = array<i32>} : memref<640x128xf32, #tpu.memory_space<vmem>>, vector<16xf32>,
        %add3A_211 = arith.addf %add3A_199, %get3A_210 : vector<16xf32>
        %add3A_212 = arith.constant 9 : i32
        %add3A_213 = arith.addi %mul3A_110, %add3A_212 : i32
        %get3A_214 = arith.index_cast %add3A_213 : i32 to index
        %get3A_215 = arith.constant 0 : index
        %get3A_216 = tpu.vector_load %arg6[%get3A_214, %get3A_215] {strides = array<i32>} : memref<640x128xf32, #tpu.memory_space<vmem>>, vector<16xf32>,
        %add3A_217 = arith.addf %add3A_205, %get3A_216 : vector<16xf32>
        %add3A_218 = arith.constant 9 : i32
        %add3A_219 = arith.addi %mul3A_110, %add3A_218 : i32
        %get3A_220 = arith.index_cast %add3A_219 : i32 to index
        %get3A_221 = arith.constant 16 : index
        %get3A_222 = tpu.vector_load %arg6[%get3A_220, %get3A_221] {strides = array<i32>} : memref<640x128xf32, #tpu.memory_space<vmem>>, vector<16xf32>,
        %add3A_223 = arith.addf %add3A_211, %get3A_222 : vector<16xf32>
        %add3A_224 = arith.constant 10 : i32
        %add3A_225 = arith.addi %mul3A_110, %add3A_224 : i32
        %get3A_226 = arith.index_cast %add3A_225 : i32 to index
        %get3A_227 = arith.constant 0 : index
        %get3A_228 = tpu.vector_load %arg6[%get3A_226, %get3A_227] {strides = array<i32>} : memref<640x128xf32, #tpu.memory_space<vmem>>, vector<16xf32>,
        %add3A_229 = arith.addf %add3A_217, %get3A_228 : vector<16xf32>
        %add3A_230 = arith.constant 10 : i32
        %add3A_231 = arith.addi %mul3A_110, %add3A_230 : i32
        %get3A_232 = arith.index_cast %add3A_231 : i32 to index
        %get3A_233 = arith.constant 16 : index
        %get3A_234 = tpu.vector_load %arg6[%get3A_232, %get3A_233] {strides = array<i32>} : memref<640x128xf32, #tpu.memory_space<vmem>>, vector<16xf32>,
        %add3A_235 = arith.addf %add3A_223, %get3A_234 : vector<16xf32>
        %add3A_236 = arith.constant 11 : i32
        %add3A_237 = arith.addi %mul3A_110, %add3A_236 : i32
        %get3A_238 = arith.index_cast %add3A_237 : i32 to index
        %get3A_239 = arith.constant 0 : index
        %get3A_240 = tpu.vector_load %arg6[%get3A_238, %get3A_239] {strides = array<i32>} : memref<640x128xf32, #tpu.memory_space<vmem>>, vector<16xf32>,
        %add3A_241 = arith.addf %add3A_229, %get3A_240 : vector<16xf32>
        %add3A_242 = arith.constant 11 : i32
        %add3A_243 = arith.addi %mul3A_110, %add3A_242 : i32
        %get3A_244 = arith.index_cast %add3A_243 : i32 to index
        %get3A_245 = arith.constant 16 : index
        %get3A_246 = tpu.vector_load %arg6[%get3A_244, %get3A_245] {strides = array<i32>} : memref<640x128xf32, #tpu.memory_space<vmem>>, vector<16xf32>,
        %add3A_247 = arith.addf %add3A_235, %get3A_246 : vector<16xf32>
        %add3A_248 = arith.constant 12 : i32
        %add3A_249 = arith.addi %mul3A_110, %add3A_248 : i32
        %get3A_250 = arith.index_cast %add3A_249 : i32 to index
        %get3A_251 = arith.constant 0 : index
        %get3A_252 = tpu.vector_load %arg6[%get3A_250, %get3A_251] {strides = array<i32>} : memref<640x128xf32, #tpu.memory_space<vmem>>, vector<16xf32>,
        %add3A_253 = arith.addf %add3A_241, %get3A_252 : vector<16xf32>
        %add3A_254 = arith.constant 12 : i32
        %add3A_255 = arith.addi %mul3A_110, %add3A_254 : i32
        %get3A_256 = arith.index_cast %add3A_255 : i32 to index
        %get3A_257 = arith.constant 16 : index
        %get3A_258 = tpu.vector_load %arg6[%get3A_256, %get3A_257] {strides = array<i32>} : memref<640x128xf32, #tpu.memory_space<vmem>>, vector<16xf32>,
        %add3A_259 = arith.addf %add3A_247, %get3A_258 : vector<16xf32>
        %add3A_260 = arith.constant 13 : i32
        %add3A_261 = arith.addi %mul3A_110, %add3A_260 : i32
        %get3A_262 = arith.index_cast %add3A_261 : i32 to index
        %get3A_263 = arith.constant 0 : index
        %get3A_264 = tpu.vector_load %arg6[%get3A_262, %get3A_263] {strides = array<i32>} : memref<640x128xf32, #tpu.memory_space<vmem>>, vector<16xf32>,
        %add3A_265 = arith.addf %add3A_253, %get3A_264 : vector<16xf32>
        %add3A_266 = arith.constant 13 : i32
        %add3A_267 = arith.addi %mul3A_110, %add3A_266 : i32
        %get3A_268 = arith.index_cast %add3A_267 : i32 to index
        %get3A_269 = arith.constant 16 : index
        %get3A_270 = tpu.vector_load %arg6[%get3A_268, %get3A_269] {strides = array<i32>} : memref<640x128xf32, #tpu.memory_space<vmem>>, vector<16xf32>,
        %add3A_271 = arith.addf %add3A_259, %get3A_270 : vector<16xf32>
        %add3A_272 = arith.constant 14 : i32
        %add3A_273 = arith.addi %mul3A_110, %add3A_272 : i32
        %get3A_274 = arith.index_cast %add3A_273 : i32 to index
        %get3A_275 = arith.constant 0 : index
        %get3A_276 = tpu.vector_load %arg6[%get3A_274, %get3A_275] {strides = array<i32>} : memref<640x128xf32, #tpu.memory_space<vmem>>, vector<16xf32>,
        %add3A_277 = arith.addf %add3A_265, %get3A_276 : vector<16xf32>
        %add3A_278 = arith.constant 14 : i32
        %add3A_279 = arith.addi %mul3A_110, %add3A_278 : i32
        %get3A_280 = arith.index_cast %add3A_279 : i32 to index
        %get3A_281 = arith.constant 16 : index
        %get3A_282 = tpu.vector_load %arg6[%get3A_280, %get3A_281] {strides = array<i32>} : memref<640x128xf32, #tpu.memory_space<vmem>>, vector<16xf32>,
        %add3A_283 = arith.addf %add3A_271, %get3A_282 : vector<16xf32>
        %add3A_284 = arith.constant 15 : i32
        %add3A_285 = arith.addi %mul3A_110, %add3A_284 : i32
        %get3A_286 = arith.index_cast %add3A_285 : i32 to index
        %get3A_287 = arith.constant 0 : index
        %get3A_288 = tpu.vector_load %arg6[%get3A_286, %get3A_287] {strides = array<i32>} : memref<640x128xf32, #tpu.memory_space<vmem>>, vector<16xf32>,
        %add3A_289 = arith.addf %add3A_277, %get3A_288 : vector<16xf32>
        %add3A_290 = arith.constant 15 : i32
        %add3A_291 = arith.addi %mul3A_110, %add3A_290 : i32
        %get3A_292 = arith.index_cast %add3A_291 : i32 to index
        %get3A_293 = arith.constant 16 : index
        %get3A_294 = tpu.vector_load %arg6[%get3A_292, %get3A_293] {strides = array<i32>} : memref<640x128xf32, #tpu.memory_space<vmem>>, vector<16xf32>,
        %add3A_295 = arith.addf %add3A_283, %get3A_294 : vector<16xf32>
        %add3A_296 = arith.constant 16 : i32
        %add3A_297 = arith.addi %mul3A_110, %add3A_296 : i32
        %get3A_298 = arith.index_cast %add3A_297 : i32 to index
        %get3A_299 = arith.constant 0 : index
        %get3A_300 = tpu.vector_load %arg6[%get3A_298, %get3A_299] {strides = array<i32>} : memref<640x128xf32, #tpu.memory_space<vmem>>, vector<16xf32>,
        %add3A_301 = arith.addf %add3A_289, %get3A_300 : vector<16xf32>
        %add3A_302 = arith.constant 16 : i32
        %add3A_303 = arith.addi %mul3A_110, %add3A_302 : i32
        %get3A_304 = arith.index_cast %add3A_303 : i32 to index
        %get3A_305 = arith.constant 16 : index
        %get3A_306 = tpu.vector_load %arg6[%get3A_304, %get3A_305] {strides = array<i32>} : memref<640x128xf32, #tpu.memory_space<vmem>>, vector<16xf32>,
        %add3A_307 = arith.addf %add3A_295, %get3A_306 : vector<16xf32>
        %add3A_308 = arith.constant 17 : i32
        %add3A_309 = arith.addi %mul3A_110, %add3A_308 : i32
        %get3A_310 = arith.index_cast %add3A_309 : i32 to index
        %get3A_311 = arith.constant 0 : index
        %get3A_312 = tpu.vector_load %arg6[%get3A_310, %get3A_311] {strides = array<i32>} : memref<640x128xf32, #tpu.memory_space<vmem>>, vector<16xf32>,
        %add3A_313 = arith.addf %add3A_301, %get3A_312 : vector<16xf32>
        %add3A_314 = arith.constant 17 : i32
        %add3A_315 = arith.addi %mul3A_110, %add3A_314 : i32
        %get3A_316 = arith.index_cast %add3A_315 : i32 to index
        %get3A_317 = arith.constant 16 : index
        %get3A_318 = tpu.vector_load %arg6[%get3A_316, %get3A_317] {strides = array<i32>} : memref<640x128xf32, #tpu.memory_space<vmem>>, vector<16xf32>,
        %add3A_319 = arith.addf %add3A_307, %get3A_318 : vector<16xf32>
        %add3A_320 = arith.constant 18 : i32
        %add3A_321 = arith.addi %mul3A_110, %add3A_320 : i32
        %get3A_322 = arith.index_cast %add3A_321 : i32 to index
        %get3A_323 = arith.constant 0 : index
        %get3A_324 = tpu.vector_load %arg6[%get3A_322, %get3A_323] {strides = array<i32>} : memref<640x128xf32, #tpu.memory_space<vmem>>, vector<16xf32>,
        %add3A_325 = arith.addf %add3A_313, %get3A_324 : vector<16xf32>
        %add3A_326 = arith.constant 18 : i32
        %add3A_327 = arith.addi %mul3A_110, %add3A_326 : i32
        %get3A_328 = arith.index_cast %add3A_327 : i32 to index
        %get3A_329 = arith.constant 16 : index
        %get3A_330 = tpu.vector_load %arg6[%get3A_328, %get3A_329] {strides = array<i32>} : memref<640x128xf32, #tpu.memory_space<vmem>>, vector<16xf32>,
        %add3A_331 = arith.addf %add3A_319, %get3A_330 : vector<16xf32>
        %add3A_332 = arith.constant 19 : i32
        %add3A_333 = arith.addi %mul3A_110, %add3A_332 : i32
        %get3A_334 = arith.index_cast %add3A_333 : i32 to index
        %get3A_335 = arith.constant 0 : index
        %get3A_336 = tpu.vector_load %arg6[%get3A_334, %get3A_335] {strides = array<i32>} : memref<640x128xf32, #tpu.memory_space<vmem>>, vector<16xf32>,
        %add3A_337 = arith.addf %add3A_325, %get3A_336 : vector<16xf32>
        %add3A_338 = arith.constant 19 : i32
        %add3A_339 = arith.addi %mul3A_110, %add3A_338 : i32
        %get3A_340 = arith.index_cast %add3A_339 : i32 to index
        %get3A_341 = arith.constant 16 : index
        %get3A_342 = tpu.vector_load %arg6[%get3A_340, %get3A_341] {strides = array<i32>} : memref<640x128xf32, #tpu.memory_space<vmem>>, vector<16xf32>,
        %add3A_343 = arith.addf %add3A_331, %get3A_342 : vector<16xf32>
        %mul3A_344 = arith.constant 5.000000e-02 : f32
        %mul3A_345 = vector.broadcast %mul3A_344 : f32 to vector<16xf32>
        %mul3A_346 = arith.mulf %add3A_337, %mul3A_345 : vector<16xf32>
        %swap3A = arith.index_cast %while3A_108 : i32 to index
        %swap3A_347 = arith.constant 0 : index
        %swap3A_348 = tpu.vector_load %arg7[%swap3A, %swap3A_347] {strides = array<i32>} : memref<32x32xf32, #tpu.memory_space<vmem>>, vector<16xf32>,
        tpu.vector_store %arg7[%swap3A, %swap3A_347], %mul3A_346 {strides = array<i32>} : memref<32x32xf32, #tpu.memory_space<vmem>>, vector<16xf32>,
        %mul3A_349 = arith.constant 5.000000e-02 : f32
        %mul3A_350 = vector.broadcast %mul3A_349 : f32 to vector<16xf32>
        %mul3A_351 = arith.mulf %add3A_343, %mul3A_350 : vector<16xf32>
        %swap3A_352 = arith.index_cast %while3A_108 : i32 to index
        %swap3A_353 = arith.constant 16 : index
        %swap3A_354 = tpu.vector_load %arg7[%swap3A_352, %swap3A_353] {strides = array<i32>} : memref<32x32xf32, #tpu.memory_space<vmem>>, vector<16xf32>,
        tpu.vector_store %arg7[%swap3A_352, %swap3A_353], %mul3A_351 {strides = array<i32>} : memref<32x32xf32, #tpu.memory_space<vmem>>, vector<16xf32>,
      }
      "tpu.region"() ({
        %run_scoped3A = tpu.sem_alloc : memref<!tpu.dma_semaphore, #tpu.memory_space<semaphore_mem>>
        %dma_start3A_108 = arith.constant 0 : i32
        %dma_start3A_109 = tpu.memref_slice %arg4[%add3A_16, %dma_start3A_108] : memref<26624x32xf32, #tpu.memory_space<hbm>> -> memref<32x32xf32, #tpu.memory_space<hbm>>
        %dma_start3A_110 = arith.constant 0 : i32
        %dma_start3A_111 = tpu.memref_slice %arg4[%add3A_16, %dma_start3A_110] : memref<26624x32xf32, #tpu.memory_space<hbm>> -> memref<32x32xf32, #tpu.memory_space<hbm>>
        tpu.enqueue_dma source(%arg7 : memref<32x32xf32, #tpu.memory_space<vmem>>) target(%dma_start3A_111 : memref<32x32xf32, #tpu.memory_space<hbm>>) target_semaphore(%run_scoped3A : memref<!tpu.dma_semaphore, #tpu.memory_space<semaphore_mem>>)
        %dma_wait3A_112 = arith.constant 0 : i32
        %dma_wait3A_113 = tpu.memref_slice %arg4[%add3A_16, %dma_wait3A_112] : memref<26624x32xf32, #tpu.memory_space<hbm>> -> memref<32x32xf32, #tpu.memory_space<hbm>>
        %dma_wait3A_114 = arith.constant 0 : i32
        %dma_wait3A_115 = tpu.memref_slice %arg4[%add3A_16, %dma_wait3A_114] : memref<26624x32xf32, #tpu.memory_space<hbm>> -> memref<32x32xf32, #tpu.memory_space<hbm>>
        tpu.wait_dma2 semaphore(%run_scoped3A : memref<!tpu.dma_semaphore, #tpu.memory_space<semaphore_mem>>) src(%arg7 : memref<32x32xf32, #tpu.memory_space<vmem>>) dst(%dma_wait3A_115 : memref<32x32xf32, #tpu.memory_space<hbm>>)
        tpu.yield
      }) : () -> ()
    }
    return
  }
}

</mosaic_0001>

<sc_bundles>
// kernel: kernel.3.cloned.1.call-start
scs
__scs_entry_jumppad:
0x0: {  	(pc) =	sbr.rel $0x88, $3  }
0x1: {  	(tag) =	ssettag $0x0;
	lr =	simm.s32 $0x1  }
0x2: {  	[smem:$0x3F9F] =	sst lr;
	_ =	strace $0xD0000000  }
0x3: {  	_ = 	snop  }
0x4: {  	_ = 	snop  }
0x5: {  	_ = 	snop  }
0x6: {  	_ = 	snop  }
0x7: {  	_ = 	snop  }
__scs_overlays_trampoline_lowered:
0x8: {  	[smem:$0x3FAE] =	sst s0  }
0x9: {  	[smem:$0x3FAF] =	sst s1  }
0xa: {  	[smem:$0x3FB0] =	sst s2  }
0xb: {  	[smem:$0x3FB1] =	sst s3  }
0xc: {  	[smem:$0x3FB2] =	sst s4  }
0xd: {  	[smem:$0x3FB3] =	sst s5  }
0xe: {  	[smem:$0x3FB4] =	sst s6  }
0xf: {  	[smem:$0x3FB5] =	sst s7  }
0x10: {  	[smem:$0x3FB6] =	sst s8  }
0x11: {  	[smem:$0x3FB7] =	sst s9;
	s0 =	simm.s32 @!p0 $0x0  }
0x12: {  	s1 =	sld [smem:$0x3F9D];
	s0 =	simm.s32 @p0 $0x1  }
0x13: {  	[smem:$0x3FB8] =	sst s0;
	s0 =	simm.s32 @!p1 $0x0  }
0x14: {  	s2 =	sld [smem:$0x3F9C];
	s0 =	simm.s32 @p1 $0x1  }
0x15: {  	[smem:$0x3FB9] =	sst s0;
	s0 =	simm.s32 @!p2 $0x0  }
0x16: {  	s3 =	sld [smem:$0x3FDB];
	s0 =	simm.s32 @p2 $0x1  }
0x17: {  	s4 =	simm.s32 $0x1BF5;
	[smem:$0x3FBB] =	sst s0  }
0x18: {  	s0 =	sld [smem:$0x3F9E];
	_ =	swait.ge [sflag:s4], $0x0  }
0x19: {  	s7 =	sld [smem:$0x3F9F]  }
0x1a: {  	s8 =	sadd.s32 $0xFFFFE003, lr  }
0x1b: {  	s9 =	sadd.s32 $0xFFFFFEF7, lr;
	s5 =	simm.s32 $0xFFFFFFFF;
	p2 =	slt.u32 s8, $0xFFFFF086  }
0x1c: {  	p1 =	slt.u32 s9, $0xF7A;
	s5 =	simm.s32 @!p2 $0x0  }
0x1d: {  	s5 =	simm.s32 @p1 $0x1;
	p0 =	seq.s32 s7, s2  }
0x1e: {  	s7 =	smul.u32 @!p0 $0xF7A, s2;
	p2 =	seq.s32 @!p0 s5, $0x0  }
0x1f: {  	s9 =	smul.u32 $0xF7A, s1;
	s8 =	simm.s32 @!p0 $0x1BF5;
	p2 =	por !p2, p0  }
0x20: {  	[sflag:s8] =	ssyncset.s32 @!p0 $0xFFFFF086;
	s6 =	sadd.s32 @!p0 s3, s7;
	s7 =	simm.s32 @!p0 $0x108  }
0x21: {  	s3 =	sadd.s32 s3, s9;
	s6 =	sadd.s32 @!p0 $0x88, s6;
	s7 =	simm.s32 @p2 $0x1082  }
0x22: {  	[simem:s7], [sflag:s8] =	dma.local @!p0 [hbm:s6], $0xF7A  }
0x23: {  	s9 =	sor.u32 $0xD0000000, s2;
	s6 =	simm.s32 $0x108;
	_ =	swait.ge @!p0 [sflag:s8], $0x0  }
0x24: {  	s3 =	sadd.s32 $0x88, s3;
	s6 =	simm.s32 @!p1 $0x1082;
	[sflag:s4] =	ssyncset.s32 $0xFFFFF086  }
0x25: {  	[simem:s6], [sflag:s4] =	dma.local [hbm:s3], $0xF7A  }
0x26: {  	[smem:$0x3F9F] =	sst s1;
	(tag) =	ssettag s2;
	_ =	strace s9  }
0x27: {  	s1 =	sld [smem:$0x3FAF]  }
0x28: {  	s2 =	sld [smem:$0x3FB0]  }
0x29: {  	s4 =	sld [smem:$0x3FB2]  }
0x2a: {  	p0 =	seq.s32 s5, $0x0;
	s5 =	sld [smem:$0x3FB3]  }
0x2b: {  	s6 =	sld [smem:$0x3FB4]  }
0x2c: {  	s7 =	sld [smem:$0x3FB5]  }
0x2d: {  	s3 =	simm.s32 $0x108;
	s8 =	sld [smem:$0x3FB6]  }
0x2e: {  	s3 =	simm.s32 @!p0 $0x1082;
	s9 =	sld [smem:$0x3FB7]  }
0x2f: {  	lr =	sadd.s32 s0, s3;
	s0 =	sld [smem:$0x3FAE]  }
0x30: {  	s3 =	sld [smem:$0x3FB1]  }
0x31: {  	[smem:$0x3FBA] =	sst s10  }
0x32: {  	s10 =	sld [smem:$0x3FB8];
	_ =	sdelay $0x3  }
0x33: {  	p0 =	seq.s32 s10, $0x1;
	s10 =	sld [smem:$0x3FBA];
	_ =	sdelay $0x3  }
0x34: {  	[smem:$0x3FBA] =	sst s10  }
0x35: {  	s10 =	sld [smem:$0x3FB9];
	_ =	sdelay $0x3  }
0x36: {  	p1 =	seq.s32 s10, $0x1;
	s10 =	sld [smem:$0x3FBA];
	_ =	sdelay $0x3  }
0x37: {  	[smem:$0x3FBA] =	sst s10  }
0x38: {  	s10 =	sld [smem:$0x3FBB]  }
0x39: {  	_ = 	snop;
	(pc) =	sbr.ind lr, $3  }
0x3a: {  	_ = 	snop  }
0x3b: {  	_ = 	snop  }
0x3c: {  	p2 =	seq.s32 s10, $0x1;
	s10 =	sld [smem:$0x3FBA]  }
0x3d: {  	_ =	shalt  }
0x3e: {  	_ =	shalt  }
0x3f: {  	_ =	shalt  }
0x40: {  	_ =	shalt  }
0x41: {  	_ =	shalt  }
0x42: {  	_ =	shalt  }
0x43: {  	_ =	shalt  }
0x44: {  	_ =	shalt  }
0x45: {  	_ =	shalt  }
0x46: {  	_ =	shalt  }
0x47: {  	_ =	shalt  }
0x48: {  	_ =	shalt  }
0x49: {  	_ =	shalt  }
0x4a: {  	_ =	shalt  }
0x4b: {  	_ =	shalt  }
0x4c: {  	_ =	shalt  }
0x4d: {  	_ =	shalt  }
0x4e: {  	_ =	shalt  }
0x4f: {  	_ =	shalt  }
0x50: {  	_ =	shalt  }
0x51: {  	_ =	shalt  }
0x52: {  	_ =	shalt  }
0x53: {  	_ =	shalt  }
0x54: {  	_ =	shalt  }
0x55: {  	_ =	shalt  }
0x56: {  	_ =	shalt  }
0x57: {  	_ =	shalt  }
0x58: {  	_ =	shalt  }
0x59: {  	_ =	shalt  }
0x5a: {  	_ =	shalt  }
0x5b: {  	_ =	shalt  }
0x5c: {  	_ =	shalt  }
0x5d: {  	_ =	shalt  }
0x5e: {  	_ =	shalt  }
0x5f: {  	_ =	shalt  }
0x60: {  	_ =	shalt  }
0x61: {  	_ =	shalt  }
0x62: {  	_ =	shalt  }
0x63: {  	_ =	shalt  }
0x64: {  	_ =	shalt  }
0x65: {  	_ =	shalt  }
0x66: {  	_ =	shalt  }
0x67: {  	_ =	shalt  }
0x68: {  	_ =	shalt  }
0x69: {  	_ =	shalt  }
0x6a: {  	_ =	shalt  }
0x6b: {  	_ =	shalt  }
0x6c: {  	_ =	shalt  }
0x6d: {  	_ =	shalt  }
0x6e: {  	_ =	shalt  }
0x6f: {  	_ =	shalt  }
0x70: {  	_ =	shalt  }
0x71: {  	_ =	shalt  }
0x72: {  	_ =	shalt  }
0x73: {  	_ =	shalt  }
0x74: {  	_ =	shalt  }
0x75: {  	_ =	shalt  }
0x76: {  	_ =	shalt  }
0x77: {  	_ =	shalt  }
0x78: {  	_ =	shalt  }
0x79: {  	_ =	shalt  }
0x7a: {  	_ =	shalt  }
0x7b: {  	_ =	shalt  }
0x7c: {  	_ =	shalt  }
0x7d: {  	_ =	shalt  }
0x7e: {  	_ =	shalt  }
0x7f: {  	_ =	shalt  }
0x80: {  	_ =	shalt  }
0x81: {  	_ =	shalt  }
0x82: {  	_ =	shalt  }
0x83: {  	_ =	shalt  }
0x84: {  	_ =	shalt  }
0x85: {  	_ =	shalt  }
0x86: {  	_ =	shalt  }
0x87: {  	_ =	shalt  }
.Lfunc_end0:
.L_simem_size_0:
called_computation_lowered:
.L_overlay_start_0:
0x88: {  	s2 =	sld [smem:$0x3FD9]  }
0x89: {  	s3 =	sld [smem:$0x3FFE];
	_ =	sdelay $0x1  }
0x8a: {  	s1 =	srdreg.scid  }
0x8b: {  	s0 =	sand.u32 $0x1, s1  }
0x8c: {  	s17 =	sshll.u32 s0, $0xA;
	s2 =	sadd.s32 s3, s2  }
0x8d: {  	s2 =	sadd.s32 s2, s17  }
0x8e: {  	[smem:$0x3FC6] =	sst s2  }
0x8f: {  	_ = 	snop  }
0x90: {  	s2 =	sld [smem:$0x3FD0];
	(tm) =	ssettm $0x1  }
0x91: {  	s18 =	sld [smem:$0x3FFB];
	_ =	sdelay $0x3  }
0x92: {  	_ =	strace s18  }
0x93: {  	s3 =	sld [smem:$0x3FFC];
	_ =	sdelay $0x3  }
0x94: {  	_ =	strace s3  }
0x95: {  	s3 =	sld [smem:$0x3FFD];
	_ =	sdelay $0x3  }
0x96: {  	_ =	strace s3  }
0x97: {  	_ =	strace $0x8FFFFFFF  }
0x98: {  	s19 =	sld [smem:$0x3FDB];
	_ =	sdelay $0x1  }
0x99: {  	s4 =	simm.s32 $_scs_section_size  }
0x9a: {  	s5 =	simm.s32 $_size__tile_overlayer_lowered;
	s6 =	simm.s32 $_tile_overlayer_lowered  }
0x9b: {  	s22 =	simm.s32 $0x1BFF;
	s21 =	sshll.u32 s6, $0x1;
	s3 =	sadd.s32 s4, s19  }
0x9c: {  	s7 =	simm.s32 $0x0;
	s20 =	sshll.u32 s5, $0x1;
	s5 =	sadd.s32 s21, s3  }
0x9d: {  	[timem:s7], [sflag:s22] =	dma.local [hbm:s5], s20  }
0x9e: {  	_ =	swait.ge [sflag:s22], s20  }
0x9f: {  	s4 =	ssub.s32 $0x0, s20;
	[sflag:s22] =	ssyncset.done $0x0  }
0xa0: {  	[sflag:s22] =	ssyncadd.s32 s4;
	_ =	sdelay $0x1  }
0xa1: {  	s23 =	simm.s32 $0x1B8B  }
0xa2: {  	_ =	swait.ge [sflag:s23], $0x1  }
0xa3: {  	[sflag:s23] =	ssyncset.done $0x0  }
0xa4: {  	s25 =	simm.s32 $0x1B8E;
	s24 =	sld [smem:$0x3FFE];
	[sflag:s23] =	ssyncadd.s32 $0xFFFFFFFF  }
0xa5: {  	s26 =	simm.s32 $execute0_lowered;
	[smem:$0x3FD2] =	sst s25  }
0xa6: {  	s5 =	sshll.u32 s26, $0x1;
	_ =	strace $0x80000046;
	[dreg:$0x1] =	wrdreg $0xFFFFFFFF  }
0xa7: {  	s28 =	simm.s32 $_size_execute0_lowered;
	s3 =	sadd.s32 s3, s5;
	[dreg:$0x0] =	wrdreg $0x0  }
0xa8: {  	s5 =	sshll.u32 s28, $0x1;
	[dreg:$0x2] =	wrdreg s3  }
0xa9: {  	[dreg:$0x3] =	wrdreg s5  }
0xaa: {  	[dreg:$0x4] =	wrdreg $0xC0  }
0xab: {  	_ =	task [dreg:s7], $0x5FFFF  }
0xac: {  	[dreg:$0x1] =	wrdreg $0xFFFFFFFF  }
0xad: {  	[dreg:$0x0] =	wrdreg $0x60  }
0xae: {  	[dreg:$0x2] =	wrdreg s24  }
0xaf: {  	[dreg:$0x3] =	wrdreg s2  }
0xb0: {  	[dreg:$0x4] =	wrdreg $0x9  }
0xb1: {  	_ =	task.clear_ibuf [dreg:s7], $0x5FFFF;
	_ =	strace $0x90000046  }
0xb2: {  	s29 =	simm.s32 $0x9;
	_ =	strace $0x80000048  }
0xb3: {  	_ =	swait.ge [sflag:s29], $0x1  }
0xb4: {  	[sflag:s29] =	ssyncadd.s32 $0xFFFFFFFF  }
0xb5: {  	_ =	strace $0x90000048  }
0xb6: {  	_ =	sfence  }
0xb7: {  	s30 =	sld [smem:$0x0];
	_ =	sdelay $0x2  }
0xb8: {  	s31 =	sshll.u32 s1, $0xD;
	s1 =	sshrl.u32 s1, $0x2  }
0xb9: {  	s3 =	sand.u32 $0x4000, s31;
	s1 =	sadd.s32 s1, s30  }
0xba: {  	s0 =	sor.u32 s3, s0;
	s1 =	sshll.u32 s1, $0x11  }
0xbb: {  	s0 =	sor.u32 s1, s0  }
0xbc: {  	s0 =	sadd.s32 $0x8F2B, s0  }
0xbd: {  	[sflag:s0] =	ssyncadd.remote.s32 $0x1  }
0xbe: {  	_ =	sfence.sel $0xFFFF  }
0xbf: {  	[dreg:$0x0] =	wrdreg $0xFFFFFFFF;
	(pc) =	sbr.abs _section_cstart, $3  }
0xc0: {  	[dreg:$0x1] =	wrdreg $0xFFFFFFFF  }
0xc1: {  	_ =	task.clear_ibuf [dreg:s7], $0x2FFFF;
	_ =	strace $0x9FFFFFFF  }
0xc2: {  	(tm) =	ssettm $0x7FFFFFFF  }
0xc3: {  	_ =	shalt  }
tec
execute0_lowered:
.L_overlay_start_1:
0x0: {  	(tag) =	ssettag $0x1  }
0x1: {  	s5 =	rddreg [dreg:$0x0]  }
0x2: {  	s1 =	rddreg [dreg:$0x1]  }
0x3: {  	s0 =	rddreg [dreg:$0x2];
	s2 =	simm.s32 $0x0  }
0x4: {  	s3 =	srdreg.scid;
	s10 =	simm.s32 $0x280;
	s11 =	simm.s32 $0x4280  }
0x5: {  	s12 =	simm.s32 $0x100;
	s13 =	simm.s32 $0x8280;
	s14 =	simm.s32 $0x180  }
0x6: {  	s15 =	simm.s32 $0xC280;
	s16 =	simm.s32 $0x200;
	s17 =	simm.s32 $0x10280  }
0x7: {  	s18 =	simm.s32 $0x1;
	s19 =	simm.s32 $0x14280;
	s20 =	simm.s32 $0x0  }
0x8: {  	[smem:$0x7FF] =	sst s2;
	s6 =	sand.u32 $0x1, s3;
	s3 =	stileid.u32  }
0x9: {  	s4 =	sadd.s32 $0x27AC800, s5;
	s5 =	sadd.s32 $0x400, s5;
	s7 =	ssub.s32 $0x2, s6  }
0xa: {  	_ =	strace $0x80000047;
	s9 =	sshll.u32 s3, $0x1;
	s8 =	sshrl.u32 s7, $0x1  }
0xb: {  	s6 =	sor.u32 s6, s9;
	s9 =	simm.s32 $0x80;
	s7 =	ssub.s32 s7, s8  }
0xc: {  	s6 =	smul.u32 $0x340, s6;
	s8 =	simm.s32 $0x2;
	s7 =	smax.u32 s7, $0x1  }
.LBB2_1:
0xd: {  	s21 =	simm.s32 $0x0  }
.LBB2_2:
0xe: {  	s22 =	sshll.u32 s21, $0x5  }
0xf: {  	s22 =	sadd.s32 s6, s22  }
0x10: {  	s23 =	smul.u32 $0x14, s22;
	_ =	sdelay $0x1  }
0x11: {  	s23 =	sshrl.u32 s23, $0x3  }
0x12: {  	s24 =	simm.s32 $0x0;
	s23 =	sadd.s32 s1, s23  }
0x13: {  	[tilespmem:s24], [sflag:$0x2] =	stream.linear.gather [hbm4b:s23+s24], $0x280, $0x38;
	[tilespmem:$0x15280] =	vst v63  }
0x14: {  	_ =	swait.ge [sflag:s8], $0x280  }
0x15: {  	[sflag:s8] =	ssyncset.done $0x0  }
0x16: {  	[sflag:s8] =	ssyncadd.s32 $0xFFFFFD80  }
0x17: {  	[tilespmem:s10], [sflag:$0x1] =	stream.indirect.gather [hbm4b:s4+s9], $0x80, s24, s9, $0xb8;
	[tilespmem:$0x15280] =	vst v63  }
0x18: {  	_ = 	snop  }
0x19: {  	[tilespmem:s11], [sflag:$0x1] =	stream.indirect.gather [hbm4b:s4+s9], $0x80, s9, s9, $0xb8;
	[tilespmem:$0x15280] =	vst v63  }
0x1a: {  	_ = 	snop  }
0x1b: {  	[tilespmem:s13], [sflag:$0x1] =	stream.indirect.gather [hbm4b:s4+s9], $0x80, s12, s9, $0xb8;
	[tilespmem:$0x15280] =	vst v63  }
0x1c: {  	_ = 	snop  }
0x1d: {  	[tilespmem:s15], [sflag:$0x1] =	stream.indirect.gather [hbm4b:s4+s9], $0x80, s14, s9, $0xb8;
	[tilespmem:$0x15280] =	vst v63  }
0x1e: {  	_ = 	snop  }
0x1f: {  	[tilespmem:s17], [sflag:$0x1] =	stream.indirect.gather [hbm4b:s4+s9], $0x80, s16, s9, $0xb8;
	[tilespmem:$0x15280] =	vst v63  }
0x20: {  	_ =	swait.ge [sflag:s18], $0x4000  }
0x21: {  	[sflag:s18] =	ssyncset.done $0x0  }
0x22: {  	[sflag:s18] =	ssyncadd.s32 $0xFFFFC000  }
0x23: {  	_ =	swait.ge [sflag:s18], $0x4000  }
0x24: {  	[sflag:s18] =	ssyncset.done $0x0  }
0x25: {  	[sflag:s18] =	ssyncadd.s32 $0xFFFFC000  }
0x26: {  	_ =	swait.ge [sflag:s18], $0x4000  }
0x27: {  	[sflag:s18] =	ssyncset.done $0x0  }
0x28: {  	[sflag:s18] =	ssyncadd.s32 $0xFFFFC000  }
0x29: {  	_ =	swait.ge [sflag:s18], $0x4000  }
0x2a: {  	[sflag:s18] =	ssyncset.done $0x0  }
0x2b: {  	[sflag:s18] =	ssyncadd.s32 $0xFFFFC000  }
0x2c: {  	_ =	swait.ge [sflag:s18], $0x4000  }
0x2d: {  	[sflag:s18] =	ssyncset.done $0x0  }
0x2e: {  	s23 =	simm.s32 $0x780;
	[sflag:s18] =	ssyncadd.s32 $0xFFFFC000  }
0x2f: {  	v0 =	vld [tilespmem:s23+$0xFFFFFB90]  }
0x30: {  	v1 =	vld [tilespmem:s23+$0xFFFFFB00]  }
0x31: {  	v2 =	vld [tilespmem:s23+$0xFFFFFB80]  }
0x32: {  	v3 =	vld [tilespmem:s23+$0xFFFFFB10]  }
0x33: {  	v4 =	vld [tilespmem:s23+$0xFFFFFC00]  }
0x34: {  	v5 =	vld [tilespmem:s23+$0xFFFFFC10]  }
0x35: {  	v6 =	vld [tilespmem:s23+$0xFFFFFC80]  }
0x36: {  	v7 =	vld [tilespmem:s23+$0xFFFFFD00];
	v1 =	vadd.f32 v2, v1  }
0x37: {  	v2 =	vld [tilespmem:s23+$0xFFFFFC90]  }
0x38: {  	v44 =	vld [tilespmem:s23+$0xFFFFFD80];
	v0 =	vadd.f32 v0, v3;
	v1 =	vadd.f32 v4, v1  }
0x39: {  	v3 =	vld [tilespmem:s23+$0xFFFFFD10]  }
0x3a: {  	v45 =	vld [tilespmem:s23+$0xFFFFFD90];
	v0 =	vadd.f32 v5, v0;
	v1 =	vadd.f32 v6, v1  }
0x3b: {  	v46 =	vld [tilespmem:s23+$0xFFFFFE00]  }
0x3c: {  	v47 =	vld [tilespmem:s23+$0xFFFFFE80];
	v0 =	vadd.f32 v2, v0;
	v1 =	vadd.f32 v7, v1  }
0x3d: {  	v2 =	vld [tilespmem:s23+$0xFFFFFE10]  }
0x3e: {  	v48 =	vld [tilespmem:s23+$0xFFFFFF00];
	v0 =	vadd.f32 v3, v0;
	v1 =	vadd.f32 v44, v1  }
0x3f: {  	v3 =	vld [tilespmem:s23+$0xFFFFFE90]  }
0x40: {  	v49 =	vld [tilespmem:s23+$0xFFFFFF10];
	v0 =	vadd.f32 v45, v0;
	v1 =	vadd.f32 v46, v1  }
0x41: {  	v50 =	vld [tilespmem:s23+$0xFFFFFF80]  }
0x42: {  	v51 =	vld [tilespmem:s23+$0x0];
	v0 =	vadd.f32 v2, v0;
	v1 =	vadd.f32 v47, v1  }
0x43: {  	v2 =	vld [tilespmem:s23+$0xFFFFFF90]  }
0x44: {  	v52 =	vld [tilespmem:s23+$0x80];
	v0 =	vadd.f32 v3, v0;
	v1 =	vadd.f32 v48, v1  }
0x45: {  	v3 =	vld [tilespmem:s23+$0x10]  }
0x46: {  	v53 =	vld [tilespmem:s23+$0x90];
	v0 =	vadd.f32 v49, v0;
	v1 =	vadd.f32 v50, v1  }
0x47: {  	v54 =	vld [tilespmem:s23+$0x100]  }
0x48: {  	v55 =	vld [tilespmem:s23+$0x180];
	v0 =	vadd.f32 v2, v0;
	v1 =	vadd.f32 v51, v1  }
0x49: {  	v2 =	vld [tilespmem:s23+$0x110]  }
0x4a: {  	v56 =	vld [tilespmem:s23+$0x200];
	v0 =	vadd.f32 v3, v0;
	v1 =	vadd.f32 v52, v1  }
0x4b: {  	v3 =	vld [tilespmem:s23+$0x190]  }
0x4c: {  	v57 =	vld [tilespmem:s23+$0x210];
	v0 =	vadd.f32 v53, v0;
	v1 =	vadd.f32 v54, v1  }
0x4d: {  	v58 =	vld [tilespmem:s23+$0x280]  }
0x4e: {  	v59 =	vld [tilespmem:s23+$0x300];
	v0 =	vadd.f32 v2, v0;
	v1 =	vadd.f32 v55, v1  }
0x4f: {  	v2 =	vld [tilespmem:s23+$0x290]  }
0x50: {  	v60 =	vld [tilespmem:s23+$0x380];
	v0 =	vadd.f32 v3, v0;
	v1 =	vadd.f32 v56, v1  }
0x51: {  	v3 =	vld [tilespmem:s23+$0x310]  }
0x52: {  	v61 =	vld [tilespmem:s23+$0x390];
	v0 =	vadd.f32 v57, v0;
	v1 =	vadd.f32 v58, v1  }
0x53: {  	v62 =	vld [tilespmem:s23+$0x400]  }
0x54: {  	v63 =	vld [tilespmem:s23+$0x480];
	v0 =	vadd.f32 v2, v0;
	v1 =	vadd.f32 v59, v1  }
0x55: {  	v2 =	vld [tilespmem:s23+$0x410]  }
0x56: {  	v0 =	vadd.f32 v3, v0;
	v1 =	vadd.f32 v60, v1  }
0x57: {  	v3 =	vld [tilespmem:s23+$0x490]  }
0x58: {  	v0 =	vadd.f32 v61, v0;
	v1 =	vadd.f32 v62, v1;
	_ =	sdelay $0x1  }
0x59: {  	v0 =	vadd.f32 v2, v0;
	v1 =	vadd.f32 v63, v1;
	_ =	sdelay $0x1  }
0x5a: {  	v0 =	vadd.f32 v3, v0;
	v1 =	vmul.f32 $5.000000070e-02, v1  }
0x5b: {  	s25 =	simm.s32 $0x0  }
0x5c: {  	s24 =	simm.s32 $0x200;
	v0 =	vmul.f32 $5.000000070e-02, v0;
	[tilespmem:s25+$0x14280] =	vst v1  }
.LBB2_3:
0x5d: {  	p0 =	sne.s32 s24, $0x3E00  }
0x5e: {  	[tilespmem:s25+$0x14290] =	vst v0;
	s23 =	sadd.s32 $0xA00, s23;
	s25 =	smov.u32 s24;
	s24 =	sadd.s32 $0x200, s24  }
0x5f: {  	v0 =	vld [tilespmem:s23+$0xFFFFFB90]  }
0x60: {  	v1 =	vld [tilespmem:s23+$0xFFFFFB00]  }
0x61: {  	v2 =	vld [tilespmem:s23+$0xFFFFFB80]  }
0x62: {  	v3 =	vld [tilespmem:s23+$0xFFFFFB10]  }
0x63: {  	v4 =	vld [tilespmem:s23+$0xFFFFFC00]  }
0x64: {  	v5 =	vld [tilespmem:s23+$0xFFFFFC10]  }
0x65: {  	v6 =	vld [tilespmem:s23+$0xFFFFFC80]  }
0x66: {  	v1 =	vadd.f32 v2, v1;
	v2 =	vld [tilespmem:s23+$0xFFFFFC90]  }
0x67: {  	v0 =	vadd.f32 v0, v3;
	v3 =	vld [tilespmem:s23+$0xFFFFFD00]  }
0x68: {  	v1 =	vadd.f32 v4, v1;
	v4 =	vld [tilespmem:s23+$0xFFFFFD10]  }
0x69: {  	v0 =	vadd.f32 v5, v0;
	v5 =	vld [tilespmem:s23+$0xFFFFFD80]  }
0x6a: {  	v1 =	vadd.f32 v6, v1;
	v6 =	vld [tilespmem:s23+$0xFFFFFD90]  }
0x6b: {  	v0 =	vadd.f32 v2, v0;
	v2 =	vld [tilespmem:s23+$0xFFFFFE00]  }
0x6c: {  	v1 =	vadd.f32 v3, v1;
	v3 =	vld [tilespmem:s23+$0xFFFFFE10]  }
0x6d: {  	v0 =	vadd.f32 v4, v0;
	v4 =	vld [tilespmem:s23+$0xFFFFFE80]  }
0x6e: {  	v1 =	vadd.f32 v5, v1;
	v5 =	vld [tilespmem:s23+$0xFFFFFE90]  }
0x6f: {  	v0 =	vadd.f32 v6, v0;
	v6 =	vld [tilespmem:s23+$0xFFFFFF00]  }
0x70: {  	v1 =	vadd.f32 v2, v1;
	v2 =	vld [tilespmem:s23+$0xFFFFFF10]  }
0x71: {  	v0 =	vadd.f32 v3, v0;
	v3 =	vld [tilespmem:s23+$0xFFFFFF80]  }
0x72: {  	v1 =	vadd.f32 v4, v1;
	v4 =	vld [tilespmem:s23+$0xFFFFFF90]  }
0x73: {  	v0 =	vadd.f32 v5, v0;
	v5 =	vld [tilespmem:s23+$0x0]  }
0x74: {  	v1 =	vadd.f32 v6, v1;
	v6 =	vld [tilespmem:s23+$0x10]  }
0x75: {  	v0 =	vadd.f32 v2, v0;
	v2 =	vld [tilespmem:s23+$0x80]  }
0x76: {  	v1 =	vadd.f32 v3, v1;
	v3 =	vld [tilespmem:s23+$0x90]  }
0x77: {  	v0 =	vadd.f32 v4, v0;
	v4 =	vld [tilespmem:s23+$0x100]  }
0x78: {  	v1 =	vadd.f32 v5, v1;
	v5 =	vld [tilespmem:s23+$0x110]  }
0x79: {  	v0 =	vadd.f32 v6, v0;
	v6 =	vld [tilespmem:s23+$0x180]  }
0x7a: {  	v1 =	vadd.f32 v2, v1;
	v2 =	vld [tilespmem:s23+$0x190]  }
0x7b: {  	v0 =	vadd.f32 v3, v0;
	v3 =	vld [tilespmem:s23+$0x200]  }
0x7c: {  	v1 =	vadd.f32 v4, v1;
	v4 =	vld [tilespmem:s23+$0x210]  }
0x7d: {  	v0 =	vadd.f32 v5, v0;
	v5 =	vld [tilespmem:s23+$0x280]  }
0x7e: {  	v1 =	vadd.f32 v6, v1;
	v6 =	vld [tilespmem:s23+$0x290]  }
0x7f: {  	v0 =	vadd.f32 v2, v0;
	v2 =	vld [tilespmem:s23+$0x300]  }
0x80: {  	v1 =	vadd.f32 v3, v1;
	v3 =	vld [tilespmem:s23+$0x310]  }
0x81: {  	v0 =	vadd.f32 v4, v0;
	v4 =	vld [tilespmem:s23+$0x380]  }
0x82: {  	v1 =	vadd.f32 v5, v1;
	v5 =	vld [tilespmem:s23+$0x390]  }
0x83: {  	v0 =	vadd.f32 v6, v0;
	v6 =	vld [tilespmem:s23+$0x400]  }
0x84: {  	v1 =	vadd.f32 v2, v1;
	v2 =	vld [tilespmem:s23+$0x410]  }
0x85: {  	v0 =	vadd.f32 v3, v0;
	v3 =	vld [tilespmem:s23+$0x480]  }
0x86: {  	v1 =	vadd.f32 v4, v1;
	v4 =	vld [tilespmem:s23+$0x490]  }
0x87: {  	v0 =	vadd.f32 v5, v0  }
0x88: {  	v1 =	vadd.f32 v6, v1  }
0x89: {  	v0 =	vadd.f32 v2, v0  }
.Ltmp0:
0x8a: {  	v1 =	vadd.f32 v3, v1;
	(pc) =	sbr.rel @p0 .LBB2_3-.Ltmp0, $4  }
0x8b: {  	v0 =	vadd.f32 v4, v0  }
0x8c: {  	v1 =	vmul.f32 $5.000000070e-02, v1  }
0x8d: {  	s25 =	sshra.s32 s25, $0x2;
	v0 =	vmul.f32 $5.000000070e-02, v0  }
0x8e: {  	[tilespmem:s25+$0x14280] =	vst v1  }
0x8f: {  	s21 =	sadd.s32 $0x1, s21  }
0x90: {  	s22 =	sshll.u32 s22, $0x4;
	p0 =	sne.s32 s21, $0x1A  }
.Ltmp1:
0x91: {  	[tilespmem:s25+$0x14290] =	vst v0;
	s22 =	sadd.s32 s5, s22;
	(pc) =	sbr.rel @p0 .LBB2_2-.Ltmp1, $4  }
0x92: {  	[hbm4b:s22+s2] =	stream.linear.scatter [tilespmem:s19], [sflag:$0x2], $0x1000, $0x38;
	[tilespmem:$0x15280] =	vst v63  }
0x93: {  	_ =	swait.ge [sflag:s8], $0x1000  }
0x94: {  	[sflag:s8] =	ssyncset.done $0x0  }
0x95: {  	[sflag:s8] =	ssyncadd.s32 $0xFFFFF000  }
0x96: {  	s20 =	sadd.s32 $0x1, s20  }
0x97: {  	p0 =	sne.s32 s20, s7  }
.Ltmp2:
0x98: {  	_ = 	snop;
	(pc) =	sbr.rel @p0 .LBB2_1-.Ltmp2, $1  }
0x99: {  	_ =	sdelay $0x3  }
0x9a: {  	_ =	sfence.sel $0x180000  }
0x9b: {  	[bflag:$0x0] =	sbarrier.arrive $0xFFFF  }
0x9c: {  	p0 =	sne.s32 s3, $0x0;
	_ =	strace $0x90000047  }
0x9d: {  	s0 =	sadd.s32 @!p0 $0x100000, s0;
	[bflag:$0x2] =	sbarrier.arrive $0xFFFF  }
0x9e: {  	[sflag:s0] =	ssyncadd.tile.s32 @!p0 $0x1;
	_ =	shalt  }
.Lfunc_end2:
_tile_overlayer_lowered:
.L_overlay_start_2:
0x9f: {  	(tag) =	ssettag $0x2  }
0xa0: {  	s0 =	rddreg [dreg:$0x0];
	s2 =	stileid.u32  }
0xa1: {  	s1 =	rddreg [dreg:$0x1];
	p0 =	sne.s32 s2, $0x0  }
0xa2: {  	s3 =	rddreg [dreg:$0x2];
	[bflag:$0x3] =	sbarrier.arrive $0xFFFF;
	s2 =	simm.s32 @!p0 $0x1C02  }
0xa3: {  	[timem:s3], [sflag:s2] =	dma.local @!p0 [hbm:s0], s1  }
0xa4: {  	s0 =	simm.s32 @!p0 $0x2  }
0xa5: {  	_ =	swait.ge @!p0 [sflag:s0], s1  }
0xa6: {  	s1 =	ssub.s32 @!p0 $0x0, s1;
	[sflag:s0] =	ssyncset.done @!p0 $0x0  }
0xa7: {  	[sflag:s0] =	ssyncadd.s32 @!p0 s1  }
0xa8: {  	[bflag:$0x3] =	sbarrier.arrive $0xFFFF  }
0xa9: {  	_ =	shalt  }

</sc_bundles>
